<compile_context>
chip_gen: v7x
topology: tpu7x:2x2x1
jax: 0.10.2.dev20260603
libtpu: 0.0.44.dev20260713+nightly
codegen_flags: <defaults>
</compile_context>

<pallas_src>
import functools

import jax
import jax.numpy as jnp
from jax import lax
from jax.experimental import pallas as pl
from jax.experimental.pallas import tpu as pltpu
from jax.experimental.pallas import tpu_sc as plsc

_NE = 100000
_NR = 1000
_D = 128
_B = 16384
_NW = 32
_BW = _B // _NW
_NCHUNK = 8
_CH = _BW // _NCHUNK
_NG = _CH // 16
_NP = _NCHUNK // 2


def _tec_body(ent_hbm, rel_hbm, hi_hbm, ri_hbm, ti_hbm, out_hbm,
              hi_v, ri_v, ti_v,
              h0, h1, r0, r1, t0, t1, out_v, sem0, sem1):
    wid = lax.axis_index("s") * 2 + lax.axis_index("c")
    base = wid * _BW

    ci = pltpu.async_copy(hi_hbm.at[pl.ds(base, _BW)], hi_v, sem0)
    cr = pltpu.async_copy(ri_hbm.at[pl.ds(base, _BW)], ri_v, sem0)
    ct = pltpu.async_copy(ti_hbm.at[pl.ds(base, _BW)], ti_v, sem0)
    ci.wait()
    cr.wait()
    ct.wait()

    hbufs = (h0, h1)
    rbufs = (r0, r1)
    tbufs = (t0, t1)
    sems = (sem0, sem1)

    def start_gathers(c, b):
        s = sems[b]
        sl = pl.ds(c * _CH, _CH)
        pltpu.async_copy(ent_hbm.at[hi_v.at[sl]], hbufs[b], s)
        pltpu.async_copy(rel_hbm.at[ri_v.at[sl]], rbufs[b], s)
        pltpu.async_copy(ent_hbm.at[ti_v.at[sl]], tbufs[b], s)

    def wait_gathers(b):
        pltpu.make_async_copy(ent_hbm.at[pl.ds(0, _CH)], hbufs[b], sems[b]).wait()
        pltpu.make_async_copy(ent_hbm.at[pl.ds(0, _CH)], rbufs[b], sems[b]).wait()
        pltpu.make_async_copy(ent_hbm.at[pl.ds(0, _CH)], tbufs[b], sems[b]).wait()

    start_gathers(0, 0)
    start_gathers(1, 1)

    lane = lax.iota(jnp.int32, 16)

    def compute_chunk(c, b):
        hb, rb, tb = hbufs[b], rbufs[b], tbufs[b]

        def group_step(g, _):
            base_row = g * 16

            def sub_step(u, res):
                for k in range(4):
                    row = base_row + u * 4 + k
                    acc = None
                    for j in range(8):
                        hv = hb[row, pl.ds(j * 16, 16)]
                        rv = rb[row, pl.ds(j * 16, 16)]
                        tv = tb[row, pl.ds(j * 16, 16)]
                        diff = hv + rv - tv
                        sq = diff * diff
                        acc = sq if acc is None else acc + sq
                    res = jnp.where(lane == u * 4 + k, jnp.sum(acc), res)
                return res

            res = lax.fori_loop(0, 4, sub_step, jnp.zeros((16,), jnp.float32))
            s = jnp.maximum(res, jnp.float32(1e-30))
            bits = lax.bitcast_convert_type(s, jnp.int32)
            bits = jnp.int32(0x5F3759DF) - lax.shift_right_logical(bits, 1)
            y = lax.bitcast_convert_type(bits, jnp.float32)
            half = jnp.float32(0.5) * s
            for _ in range(3):
                y = y * (jnp.float32(1.5) - half * y * y)
            out_v[pl.ds(c * _CH + base_row, 16)] = -(s * y)
            return 0

        lax.fori_loop(0, _NG, group_step, 0)

    def pair_step(p, _):
        ca = p * 2
        wait_gathers(0)
        compute_chunk(ca, 0)

        @pl.when(p < _NP - 1)
        def _():
            start_gathers(ca + 2, 0)

        wait_gathers(1)
        compute_chunk(ca + 1, 1)

        @pl.when(p < _NP - 1)
        def _():
            start_gathers(ca + 3, 1)

        return 0

    lax.fori_loop(0, _NP, pair_step, 0)

    pltpu.sync_copy(out_v, out_hbm.at[pl.ds(base, _BW)])


@jax.jit
def _transe_sc(entity_emb, relation_emb, heads, relations, tails):
    mesh = plsc.VectorSubcoreMesh(core_axis_name="c", subcore_axis_name="s")
    kern = functools.partial(
        pl.kernel,
        mesh=mesh,
        compiler_params=pltpu.CompilerParams(needs_layout_passes=False),
        out_type=jax.ShapeDtypeStruct((_B,), jnp.float32),
        scratch_types=[
            pltpu.VMEM((_BW,), jnp.int32),
            pltpu.VMEM((_BW,), jnp.int32),
            pltpu.VMEM((_BW,), jnp.int32),
            pltpu.VMEM((_CH, _D), jnp.float32),
            pltpu.VMEM((_CH, _D), jnp.float32),
            pltpu.VMEM((_CH, _D), jnp.float32),
            pltpu.VMEM((_CH, _D), jnp.float32),
            pltpu.VMEM((_CH, _D), jnp.float32),
            pltpu.VMEM((_CH, _D), jnp.float32),
            pltpu.VMEM((_BW,), jnp.float32),
            pltpu.SemaphoreType.DMA,
            pltpu.SemaphoreType.DMA,
        ],
    )(_tec_body)
    return kern(entity_emb, relation_emb, heads, relations, tails)


def kernel(entity_emb, relation_emb, heads, relations, tails):
    return _transe_sc(entity_emb, relation_emb, heads, relations, tails)

# --- scband reference (transcript-rebuilt; emitter-appended) ---
"""Pipeline reference for scband-trans-emodel-8392366096513 (READ-ONLY COPY).

The authoritative reference and input builder live on the scoring server;
editing this copy changes nothing except your own understanding.
"""

import jax, jax.numpy as jnp
import numpy as np

NUM_ENTITIES = 100000
NUM_RELATIONS = 1000
EMBED_DIM = 128
BATCH = 16384


def setup_inputs(seed: int = 0) -> dict:
    key = jax.random.key(seed)
    k1, k2, k3, k4, k5 = jax.random.split(key, 5)
    heads = jax.random.randint(k1, (BATCH,), 0, NUM_ENTITIES, dtype=jnp.int64 if jax.config.jax_enable_x64 else jnp.int32)
    relations = jax.random.randint(k2, (BATCH,), 0, NUM_RELATIONS, dtype=jnp.int64 if jax.config.jax_enable_x64 else jnp.int32)
    tails = jax.random.randint(k3, (BATCH,), 0, NUM_ENTITIES, dtype=jnp.int64 if jax.config.jax_enable_x64 else jnp.int32)
    # Xavier-uniform init for embedding tables, entity table then L2-normalized per row
    ent_bound = float(np.sqrt(6.0 / (NUM_ENTITIES + EMBED_DIM)))
    rel_bound = float(np.sqrt(6.0 / (NUM_RELATIONS + EMBED_DIM)))
    entity_emb = jax.random.uniform(k4, (NUM_ENTITIES, EMBED_DIM), dtype=jnp.float32, minval=-ent_bound, maxval=ent_bound)
    entity_emb = entity_emb / jnp.linalg.norm(entity_emb, axis=1, keepdims=True)
    relation_emb = jax.random.uniform(k5, (NUM_RELATIONS, EMBED_DIM), dtype=jnp.float32, minval=-rel_bound, maxval=rel_bound)
    return {
        "entity_emb": entity_emb,
        "relation_emb": relation_emb,
        "heads": heads,
        "relations": relations,
        "tails": tails,
    }


def reference(entity_emb, relation_emb, heads, relations, tails):
    # clamp indices (faithful to torch.clamp in original forward)
    heads = jnp.clip(heads, 0, NUM_ENTITIES - 1)
    relations = jnp.clip(relations, 0, NUM_RELATIONS - 1)
    tails = jnp.clip(tails, 0, NUM_ENTITIES - 1)
    head_emb = jnp.take(entity_emb, heads, axis=0)
    rel_emb = jnp.take(relation_emb, relations, axis=0)
    tail_emb = jnp.take(entity_emb, tails, axis=0)
    scores = head_emb + rel_emb - tail_emb
    distances = jnp.linalg.norm(scores, ord=2, axis=1)
    return -distances

if __name__ == "__main__":
    import jax
    _d = setup_inputs()
    print(jax.jit(kernel)(*tuple(_d.values())))

</pallas_src>

<mosaic_0001>
#map = affine_map<(d0, d1) -> (0, 0)>
#map1 = affine_map<(d0, d1) -> (0)>
module attributes {stable_mosaic.version = 14 : i64} {
  func.func @_tec_body(%arg0: i32, %arg1: i32, %arg2: memref<100000x128xf32, #tpu.memory_space<hbm>>, %arg3: memref<1000x128xf32, #tpu.memory_space<hbm>>, %arg4: memref<16384xi32, #tpu.memory_space<hbm>>, %arg5: memref<16384xi32, #tpu.memory_space<hbm>>, %arg6: memref<16384xi32, #tpu.memory_space<hbm>>, %arg7: memref<16384xf32, #tpu.memory_space<hbm>>, %arg8: memref<512xi32, #tpu.memory_space<vmem>>, %arg9: memref<512xi32, #tpu.memory_space<vmem>>, %arg10: memref<512xi32, #tpu.memory_space<vmem>>, %arg11: memref<64x128xf32, #tpu.memory_space<vmem>>, %arg12: memref<64x128xf32, #tpu.memory_space<vmem>>, %arg13: memref<64x128xf32, #tpu.memory_space<vmem>>, %arg14: memref<64x128xf32, #tpu.memory_space<vmem>>, %arg15: memref<64x128xf32, #tpu.memory_space<vmem>>, %arg16: memref<64x128xf32, #tpu.memory_space<vmem>>, %arg17: memref<512xf32, #tpu.memory_space<vmem>>, %arg18: memref<!tpu.dma_semaphore, #tpu.memory_space<semaphore_mem>>, %arg19: memref<!tpu.dma_semaphore, #tpu.memory_space<semaphore_mem>>) attributes {dimension_semantics = [#tpu.dimension_semantics<core_parallel>, #tpu.dimension_semantics<subcore_parallel>], iteration_bounds = array<i64: 2, 16>, scalar_prefetch = 0 : i64, scratch_operands = 12 : i64, tpu.core_type = #tpu.core_type<sc_vector_subcore>, window_params = [{transform_indices = #map}, {transform_indices = #map}, {transform_indices = #map1}, {transform_indices = #map1}, {transform_indices = #map1}, {transform_indices = #map1}]} {
    %mul3A = arith.constant 2 : i32
    %mul3A_0 = arith.muli %arg1, %mul3A : i32
    %add3A = arith.addi %mul3A_0, %arg0 : i32
    %mul3A_1 = arith.constant 512 : i32
    %mul3A_2 = arith.muli %add3A, %mul3A_1 : i32
    %dma_start3A = tpu.memref_slice %arg4[%mul3A_2] : memref<16384xi32, #tpu.memory_space<hbm>> -> memref<512xi32, #tpu.memory_space<hbm>>
    %dma_start3A_3 = tpu.memref_slice %arg4[%mul3A_2] : memref<16384xi32, #tpu.memory_space<hbm>> -> memref<512xi32, #tpu.memory_space<hbm>>
    tpu.enqueue_dma source(%dma_start3A_3 : memref<512xi32, #tpu.memory_space<hbm>>) target(%arg8 : memref<512xi32, #tpu.memory_space<vmem>>) target_semaphore(%arg18 : memref<!tpu.dma_semaphore, #tpu.memory_space<semaphore_mem>>)
    %dma_start3A_4 = tpu.memref_slice %arg5[%mul3A_2] : memref<16384xi32, #tpu.memory_space<hbm>> -> memref<512xi32, #tpu.memory_space<hbm>>
    %dma_start3A_5 = tpu.memref_slice %arg5[%mul3A_2] : memref<16384xi32, #tpu.memory_space<hbm>> -> memref<512xi32, #tpu.memory_space<hbm>>
    tpu.enqueue_dma source(%dma_start3A_5 : memref<512xi32, #tpu.memory_space<hbm>>) target(%arg9 : memref<512xi32, #tpu.memory_space<vmem>>) target_semaphore(%arg18 : memref<!tpu.dma_semaphore, #tpu.memory_space<semaphore_mem>>)
    %dma_start3A_6 = tpu.memref_slice %arg6[%mul3A_2] : memref<16384xi32, #tpu.memory_space<hbm>> -> memref<512xi32, #tpu.memory_space<hbm>>
    %dma_start3A_7 = tpu.memref_slice %arg6[%mul3A_2] : memref<16384xi32, #tpu.memory_space<hbm>> -> memref<512xi32, #tpu.memory_space<hbm>>
    tpu.enqueue_dma source(%dma_start3A_7 : memref<512xi32, #tpu.memory_space<hbm>>) target(%arg10 : memref<512xi32, #tpu.memory_space<vmem>>) target_semaphore(%arg18 : memref<!tpu.dma_semaphore, #tpu.memory_space<semaphore_mem>>)
    %dma_wait3A = tpu.memref_slice %arg4[%mul3A_2] : memref<16384xi32, #tpu.memory_space<hbm>> -> memref<512xi32, #tpu.memory_space<hbm>>
    %dma_wait3A_8 = tpu.memref_slice %arg4[%mul3A_2] : memref<16384xi32, #tpu.memory_space<hbm>> -> memref<512xi32, #tpu.memory_space<hbm>>
    tpu.wait_dma2 semaphore(%arg18 : memref<!tpu.dma_semaphore, #tpu.memory_space<semaphore_mem>>) src(%dma_wait3A_8 : memref<512xi32, #tpu.memory_space<hbm>>) dst(%arg8 : memref<512xi32, #tpu.memory_space<vmem>>)
    %dma_wait3A_9 = tpu.memref_slice %arg5[%mul3A_2] : memref<16384xi32, #tpu.memory_space<hbm>> -> memref<512xi32, #tpu.memory_space<hbm>>
    %dma_wait3A_10 = tpu.memref_slice %arg5[%mul3A_2] : memref<16384xi32, #tpu.memory_space<hbm>> -> memref<512xi32, #tpu.memory_space<hbm>>
    tpu.wait_dma2 semaphore(%arg18 : memref<!tpu.dma_semaphore, #tpu.memory_space<semaphore_mem>>) src(%dma_wait3A_10 : memref<512xi32, #tpu.memory_space<hbm>>) dst(%arg9 : memref<512xi32, #tpu.memory_space<vmem>>)
    %dma_wait3A_11 = tpu.memref_slice %arg6[%mul3A_2] : memref<16384xi32, #tpu.memory_space<hbm>> -> memref<512xi32, #tpu.memory_space<hbm>>
    %dma_wait3A_12 = tpu.memref_slice %arg6[%mul3A_2] : memref<16384xi32, #tpu.memory_space<hbm>> -> memref<512xi32, #tpu.memory_space<hbm>>
    tpu.wait_dma2 semaphore(%arg18 : memref<!tpu.dma_semaphore, #tpu.memory_space<semaphore_mem>>) src(%dma_wait3A_12 : memref<512xi32, #tpu.memory_space<hbm>>) dst(%arg10 : memref<512xi32, #tpu.memory_space<vmem>>)
    %dma_start3A_13 = arith.constant 0 : i32
    %dma_start3A_14 = tpu.memref_slice %arg8[%dma_start3A_13] : memref<512xi32, #tpu.memory_space<vmem>> -> memref<64xi32, #tpu.memory_space<vmem>>
    %dma_start3A_15 = arith.constant 0 : i32
    %dma_start3A_16 = arith.constant 0 : i32
    %dma_start3A_17 = tpu.memref_slice %arg2[%dma_start3A_15, %dma_start3A_16] : memref<100000x128xf32, #tpu.memory_space<hbm>> -> memref<100000x128xf32, #tpu.memory_space<hbm>>
    tpu.enqueue_indirect_dma source(%dma_start3A_17 : memref<100000x128xf32, #tpu.memory_space<hbm>>) target(%arg11 : memref<64x128xf32, #tpu.memory_space<vmem>>) offsets(%dma_start3A_14 : memref<64xi32, #tpu.memory_space<vmem>>) semaphore(%arg18 : memref<!tpu.dma_semaphore, #tpu.memory_space<semaphore_mem>>)
    %dma_start3A_18 = arith.constant 0 : i32
    %dma_start3A_19 = tpu.memref_slice %arg9[%dma_start3A_18] : memref<512xi32, #tpu.memory_space<vmem>> -> memref<64xi32, #tpu.memory_space<vmem>>
    %dma_start3A_20 = arith.constant 0 : i32
    %dma_start3A_21 = arith.constant 0 : i32
    %dma_start3A_22 = tpu.memref_slice %arg3[%dma_start3A_20, %dma_start3A_21] : memref<1000x128xf32, #tpu.memory_space<hbm>> -> memref<1000x128xf32, #tpu.memory_space<hbm>>
    tpu.enqueue_indirect_dma source(%dma_start3A_22 : memref<1000x128xf32, #tpu.memory_space<hbm>>) target(%arg13 : memref<64x128xf32, #tpu.memory_space<vmem>>) offsets(%dma_start3A_19 : memref<64xi32, #tpu.memory_space<vmem>>) semaphore(%arg18 : memref<!tpu.dma_semaphore, #tpu.memory_space<semaphore_mem>>)
    %dma_start3A_23 = arith.constant 0 : i32
    %dma_start3A_24 = tpu.memref_slice %arg10[%dma_start3A_23] : memref<512xi32, #tpu.memory_space<vmem>> -> memref<64xi32, #tpu.memory_space<vmem>>
    %dma_start3A_25 = arith.constant 0 : i32
    %dma_start3A_26 = arith.constant 0 : i32
    %dma_start3A_27 = tpu.memref_slice %arg2[%dma_start3A_25, %dma_start3A_26] : memref<100000x128xf32, #tpu.memory_space<hbm>> -> memref<100000x128xf32, #tpu.memory_space<hbm>>
    tpu.enqueue_indirect_dma source(%dma_start3A_27 : memref<100000x128xf32, #tpu.memory_space<hbm>>) target(%arg15 : memref<64x128xf32, #tpu.memory_space<vmem>>) offsets(%dma_start3A_24 : memref<64xi32, #tpu.memory_space<vmem>>) semaphore(%arg18 : memref<!tpu.dma_semaphore, #tpu.memory_space<semaphore_mem>>)
    %dma_start3A_28 = arith.constant 64 : i32
    %dma_start3A_29 = tpu.memref_slice %arg8[%dma_start3A_28] : memref<512xi32, #tpu.memory_space<vmem>> -> memref<64xi32, #tpu.memory_space<vmem>>
    %dma_start3A_30 = arith.constant 0 : i32
    %dma_start3A_31 = arith.constant 0 : i32
    %dma_start3A_32 = tpu.memref_slice %arg2[%dma_start3A_30, %dma_start3A_31] : memref<100000x128xf32, #tpu.memory_space<hbm>> -> memref<100000x128xf32, #tpu.memory_space<hbm>>
    tpu.enqueue_indirect_dma source(%dma_start3A_32 : memref<100000x128xf32, #tpu.memory_space<hbm>>) target(%arg12 : memref<64x128xf32, #tpu.memory_space<vmem>>) offsets(%dma_start3A_29 : memref<64xi32, #tpu.memory_space<vmem>>) semaphore(%arg19 : memref<!tpu.dma_semaphore, #tpu.memory_space<semaphore_mem>>)
    %dma_start3A_33 = arith.constant 64 : i32
    %dma_start3A_34 = tpu.memref_slice %arg9[%dma_start3A_33] : memref<512xi32, #tpu.memory_space<vmem>> -> memref<64xi32, #tpu.memory_space<vmem>>
    %dma_start3A_35 = arith.constant 0 : i32
    %dma_start3A_36 = arith.constant 0 : i32
    %dma_start3A_37 = tpu.memref_slice %arg3[%dma_start3A_35, %dma_start3A_36] : memref<1000x128xf32, #tpu.memory_space<hbm>> -> memref<1000x128xf32, #tpu.memory_space<hbm>>
    tpu.enqueue_indirect_dma source(%dma_start3A_37 : memref<1000x128xf32, #tpu.memory_space<hbm>>) target(%arg14 : memref<64x128xf32, #tpu.memory_space<vmem>>) offsets(%dma_start3A_34 : memref<64xi32, #tpu.memory_space<vmem>>) semaphore(%arg19 : memref<!tpu.dma_semaphore, #tpu.memory_space<semaphore_mem>>)
    %dma_start3A_38 = arith.constant 64 : i32
    %dma_start3A_39 = tpu.memref_slice %arg10[%dma_start3A_38] : memref<512xi32, #tpu.memory_space<vmem>> -> memref<64xi32, #tpu.memory_space<vmem>>
    %dma_start3A_40 = arith.constant 0 : i32
    %dma_start3A_41 = arith.constant 0 : i32
    %dma_start3A_42 = tpu.memref_slice %arg2[%dma_start3A_40, %dma_start3A_41] : memref<100000x128xf32, #tpu.memory_space<hbm>> -> memref<100000x128xf32, #tpu.memory_space<hbm>>
    tpu.enqueue_indirect_dma source(%dma_start3A_42 : memref<100000x128xf32, #tpu.memory_space<hbm>>) target(%arg16 : memref<64x128xf32, #tpu.memory_space<vmem>>) offsets(%dma_start3A_39 : memref<64xi32, #tpu.memory_space<vmem>>) semaphore(%arg19 : memref<!tpu.dma_semaphore, #tpu.memory_space<semaphore_mem>>)
    %iota3A = tpu.iota {dimensions = array<i32: 0>} : vector<16xi32>
    %scan3A = arith.constant 0 : i32
    %scan3A_43 = arith.constant 0 : i32
    %scan3A_44 = arith.constant 4 : i32
    %scan3A_45 = arith.addi %scan3A_43, %scan3A_44 : i32
    %scan3A_46 = arith.constant 1 : i32
    %scan3A_47 = scf.for %scan3A_49 = %scan3A_43 to %scan3A_45 step %scan3A_46 iter_args(%scan3A_50 = %scan3A) -> (i32)  : i32 {
      %mul3A_51 = arith.constant 2 : i32
      %mul3A_52 = arith.muli %scan3A_49, %mul3A_51 : i32
      %dma_wait3A_53 = arith.constant 0 : i32
      %dma_wait3A_54 = arith.constant 0 : i32
      %dma_wait3A_55 = tpu.memref_slice %arg2[%dma_wait3A_53, %dma_wait3A_54] : memref<100000x128xf32, #tpu.memory_space<hbm>> -> memref<64x128xf32, #tpu.memory_space<hbm>>
      %dma_wait3A_56 = arith.constant 0 : i32
      %dma_wait3A_57 = arith.constant 0 : i32
      %dma_wait3A_58 = tpu.memref_slice %arg2[%dma_wait3A_56, %dma_wait3A_57] : memref<100000x128xf32, #tpu.memory_space<hbm>> -> memref<64x128xf32, #tpu.memory_space<hbm>>
      tpu.wait_dma2 semaphore(%arg18 : memref<!tpu.dma_semaphore, #tpu.memory_space<semaphore_mem>>) src(%dma_wait3A_58 : memref<64x128xf32, #tpu.memory_space<hbm>>) dst(%arg11 : memref<64x128xf32, #tpu.memory_space<vmem>>)
      %dma_wait3A_59 = arith.constant 0 : i32
      %dma_wait3A_60 = arith.constant 0 : i32
      %dma_wait3A_61 = tpu.memref_slice %arg2[%dma_wait3A_59, %dma_wait3A_60] : memref<100000x128xf32, #tpu.memory_space<hbm>> -> memref<64x128xf32, #tpu.memory_space<hbm>>
      %dma_wait3A_62 = arith.constant 0 : i32
      %dma_wait3A_63 = arith.constant 0 : i32
      %dma_wait3A_64 = tpu.memref_slice %arg2[%dma_wait3A_62, %dma_wait3A_63] : memref<100000x128xf32, #tpu.memory_space<hbm>> -> memref<64x128xf32, #tpu.memory_space<hbm>>
      tpu.wait_dma2 semaphore(%arg18 : memref<!tpu.dma_semaphore, #tpu.memory_space<semaphore_mem>>) src(%dma_wait3A_64 : memref<64x128xf32, #tpu.memory_space<hbm>>) dst(%arg13 : memref<64x128xf32, #tpu.memory_space<vmem>>)
      %dma_wait3A_65 = arith.constant 0 : i32
      %dma_wait3A_66 = arith.constant 0 : i32
      %dma_wait3A_67 = tpu.memref_slice %arg2[%dma_wait3A_65, %dma_wait3A_66] : memref<100000x128xf32, #tpu.memory_space<hbm>> -> memref<64x128xf32, #tpu.memory_space<hbm>>
      %dma_wait3A_68 = arith.constant 0 : i32
      %dma_wait3A_69 = arith.constant 0 : i32
      %dma_wait3A_70 = tpu.memref_slice %arg2[%dma_wait3A_68, %dma_wait3A_69] : memref<100000x128xf32, #tpu.memory_space<hbm>> -> memref<64x128xf32, #tpu.memory_space<hbm>>
      tpu.wait_dma2 semaphore(%arg18 : memref<!tpu.dma_semaphore, #tpu.memory_space<semaphore_mem>>) src(%dma_wait3A_70 : memref<64x128xf32, #tpu.memory_space<hbm>>) dst(%arg15 : memref<64x128xf32, #tpu.memory_space<vmem>>)
      %scan3A_71 = arith.constant 0 : i32
      %scan3A_72 = arith.constant 0 : i32
      %scan3A_73 = arith.constant 4 : i32
      %scan3A_74 = arith.addi %scan3A_72, %scan3A_73 : i32
      %scan3A_75 = arith.constant 1 : i32
      %scan3A_76 = scf.for %scan3A_113 = %scan3A_72 to %scan3A_74 step %scan3A_75 iter_args(%scan3A_114 = %scan3A_71) -> (i32)  : i32 {
        %mul3A_115 = arith.constant 16 : i32
        %mul3A_116 = arith.muli %scan3A_113, %mul3A_115 : i32
        %broadcast_in_dim3A = arith.constant 0.000000e+00 : f32
        %broadcast_in_dim3A_117 = vector.broadcast %broadcast_in_dim3A : f32 to vector<16xf32>
        %scan3A_118 = arith.constant 0 : i32
        %scan3A_119 = arith.constant 4 : i32
        %scan3A_120 = arith.addi %scan3A_118, %scan3A_119 : i32
        %scan3A_121 = arith.constant 1 : i32
        %scan3A_122 = scf.for %scan3A_160 = %scan3A_118 to %scan3A_120 step %scan3A_121 iter_args(%scan3A_161 = %broadcast_in_dim3A_117) -> (vector<16xf32>)  : i32 {
          %mul3A_162 = arith.constant 4 : i32
          %mul3A_163 = arith.muli %scan3A_160, %mul3A_162 : i32
          %add3A_164 = arith.addi %mul3A_116, %mul3A_163 : i32
          %add3A_165 = arith.constant 0 : i32
          %add3A_166 = arith.addi %add3A_164, %add3A_165 : i32
          %get3A = arith.index_cast %add3A_166 : i32 to index
          %get3A_167 = arith.constant 0 : index
          %get3A_168 = tpu.vector_load %arg11[%get3A, %get3A_167] {strides = array<i32>} : memref<64x128xf32, #tpu.memory_space<vmem>>, vector<16xf32>,
          %get3A_169 = arith.index_cast %add3A_166 : i32 to index
          %get3A_170 = arith.constant 0 : index
          %get3A_171 = tpu.vector_load %arg13[%get3A_169, %get3A_170] {strides = array<i32>} : memref<64x128xf32, #tpu.memory_space<vmem>>, vector<16xf32>,
          %get3A_172 = arith.index_cast %add3A_166 : i32 to index
          %get3A_173 = arith.constant 0 : index
          %get3A_174 = tpu.vector_load %arg15[%get3A_172, %get3A_173] {strides = array<i32>} : memref<64x128xf32, #tpu.memory_space<vmem>>, vector<16xf32>,
          %add3A_175 = arith.addf %get3A_168, %get3A_171 : vector<16xf32>
          %sub3A_176 = arith.subf %add3A_175, %get3A_174 : vector<16xf32>
          %mul3A_177 = arith.mulf %sub3A_176, %sub3A_176 : vector<16xf32>
          %get3A_178 = arith.index_cast %add3A_166 : i32 to index
          %get3A_179 = arith.constant 16 : index
          %get3A_180 = tpu.vector_load %arg11[%get3A_178, %get3A_179] {strides = array<i32>} : memref<64x128xf32, #tpu.memory_space<vmem>>, vector<16xf32>,
          %get3A_181 = arith.index_cast %add3A_166 : i32 to index
          %get3A_182 = arith.constant 16 : index
          %get3A_183 = tpu.vector_load %arg13[%get3A_181, %get3A_182] {strides = array<i32>} : memref<64x128xf32, #tpu.memory_space<vmem>>, vector<16xf32>,
          %get3A_184 = arith.index_cast %add3A_166 : i32 to index
          %get3A_185 = arith.constant 16 : index
          %get3A_186 = tpu.vector_load %arg15[%get3A_184, %get3A_185] {strides = array<i32>} : memref<64x128xf32, #tpu.memory_space<vmem>>, vector<16xf32>,
          %add3A_187 = arith.addf %get3A_180, %get3A_183 : vector<16xf32>
          %sub3A_188 = arith.subf %add3A_187, %get3A_186 : vector<16xf32>
          %mul3A_189 = arith.mulf %sub3A_188, %sub3A_188 : vector<16xf32>
          %add3A_190 = arith.addf %mul3A_177, %mul3A_189 : vector<16xf32>
          %get3A_191 = arith.index_cast %add3A_166 : i32 to index
          %get3A_192 = arith.constant 32 : index
          %get3A_193 = tpu.vector_load %arg11[%get3A_191, %get3A_192] {strides = array<i32>} : memref<64x128xf32, #tpu.memory_space<vmem>>, vector<16xf32>,
          %get3A_194 = arith.index_cast %add3A_166 : i32 to index
          %get3A_195 = arith.constant 32 : index
          %get3A_196 = tpu.vector_load %arg13[%get3A_194, %get3A_195] {strides = array<i32>} : memref<64x128xf32, #tpu.memory_space<vmem>>, vector<16xf32>,
          %get3A_197 = arith.index_cast %add3A_166 : i32 to index
          %get3A_198 = arith.constant 32 : index
          %get3A_199 = tpu.vector_load %arg15[%get3A_197, %get3A_198] {strides = array<i32>} : memref<64x128xf32, #tpu.memory_space<vmem>>, vector<16xf32>,
          %add3A_200 = arith.addf %get3A_193, %get3A_196 : vector<16xf32>
          %sub3A_201 = arith.subf %add3A_200, %get3A_199 : vector<16xf32>
          %mul3A_202 = arith.mulf %sub3A_201, %sub3A_201 : vector<16xf32>
          %add3A_203 = arith.addf %add3A_190, %mul3A_202 : vector<16xf32>
          %get3A_204 = arith.index_cast %add3A_166 : i32 to index
          %get3A_205 = arith.constant 48 : index
          %get3A_206 = tpu.vector_load %arg11[%get3A_204, %get3A_205] {strides = array<i32>} : memref<64x128xf32, #tpu.memory_space<vmem>>, vector<16xf32>,
          %get3A_207 = arith.index_cast %add3A_166 : i32 to index
          %get3A_208 = arith.constant 48 : index
          %get3A_209 = tpu.vector_load %arg13[%get3A_207, %get3A_208] {strides = array<i32>} : memref<64x128xf32, #tpu.memory_space<vmem>>, vector<16xf32>,
          %get3A_210 = arith.index_cast %add3A_166 : i32 to index
          %get3A_211 = arith.constant 48 : index
          %get3A_212 = tpu.vector_load %arg15[%get3A_210, %get3A_211] {strides = array<i32>} : memref<64x128xf32, #tpu.memory_space<vmem>>, vector<16xf32>,
          %add3A_213 = arith.addf %get3A_206, %get3A_209 : vector<16xf32>
          %sub3A_214 = arith.subf %add3A_213, %get3A_212 : vector<16xf32>
          %mul3A_215 = arith.mulf %sub3A_214, %sub3A_214 : vector<16xf32>
          %add3A_216 = arith.addf %add3A_203, %mul3A_215 : vector<16xf32>
          %get3A_217 = arith.index_cast %add3A_166 : i32 to index
          %get3A_218 = arith.constant 64 : index
          %get3A_219 = tpu.vector_load %arg11[%get3A_217, %get3A_218] {strides = array<i32>} : memref<64x128xf32, #tpu.memory_space<vmem>>, vector<16xf32>,
          %get3A_220 = arith.index_cast %add3A_166 : i32 to index
          %get3A_221 = arith.constant 64 : index
          %get3A_222 = tpu.vector_load %arg13[%get3A_220, %get3A_221] {strides = array<i32>} : memref<64x128xf32, #tpu.memory_space<vmem>>, vector<16xf32>,
          %get3A_223 = arith.index_cast %add3A_166 : i32 to index
          %get3A_224 = arith.constant 64 : index
          %get3A_225 = tpu.vector_load %arg15[%get3A_223, %get3A_224] {strides = array<i32>} : memref<64x128xf32, #tpu.memory_space<vmem>>, vector<16xf32>,
          %add3A_226 = arith.addf %get3A_219, %get3A_222 : vector<16xf32>
          %sub3A_227 = arith.subf %add3A_226, %get3A_225 : vector<16xf32>
          %mul3A_228 = arith.mulf %sub3A_227, %sub3A_227 : vector<16xf32>
          %add3A_229 = arith.addf %add3A_216, %mul3A_228 : vector<16xf32>
          %get3A_230 = arith.index_cast %add3A_166 : i32 to index
          %get3A_231 = arith.constant 80 : index
          %get3A_232 = tpu.vector_load %arg11[%get3A_230, %get3A_231] {strides = array<i32>} : memref<64x128xf32, #tpu.memory_space<vmem>>, vector<16xf32>,
          %get3A_233 = arith.index_cast %add3A_166 : i32 to index
          %get3A_234 = arith.constant 80 : index
          %get3A_235 = tpu.vector_load %arg13[%get3A_233, %get3A_234] {strides = array<i32>} : memref<64x128xf32, #tpu.memory_space<vmem>>, vector<16xf32>,
          %get3A_236 = arith.index_cast %add3A_166 : i32 to index
          %get3A_237 = arith.constant 80 : index
          %get3A_238 = tpu.vector_load %arg15[%get3A_236, %get3A_237] {strides = array<i32>} : memref<64x128xf32, #tpu.memory_space<vmem>>, vector<16xf32>,
          %add3A_239 = arith.addf %get3A_232, %get3A_235 : vector<16xf32>
          %sub3A_240 = arith.subf %add3A_239, %get3A_238 : vector<16xf32>
          %mul3A_241 = arith.mulf %sub3A_240, %sub3A_240 : vector<16xf32>
          %add3A_242 = arith.addf %add3A_229, %mul3A_241 : vector<16xf32>
          %get3A_243 = arith.index_cast %add3A_166 : i32 to index
          %get3A_244 = arith.constant 96 : index
          %get3A_245 = tpu.vector_load %arg11[%get3A_243, %get3A_244] {strides = array<i32>} : memref<64x128xf32, #tpu.memory_space<vmem>>, vector<16xf32>,
          %get3A_246 = arith.index_cast %add3A_166 : i32 to index
          %get3A_247 = arith.constant 96 : index
          %get3A_248 = tpu.vector_load %arg13[%get3A_246, %get3A_247] {strides = array<i32>} : memref<64x128xf32, #tpu.memory_space<vmem>>, vector<16xf32>,
          %get3A_249 = arith.index_cast %add3A_166 : i32 to index
          %get3A_250 = arith.constant 96 : index
          %get3A_251 = tpu.vector_load %arg15[%get3A_249, %get3A_250] {strides = array<i32>} : memref<64x128xf32, #tpu.memory_space<vmem>>, vector<16xf32>,
          %add3A_252 = arith.addf %get3A_245, %get3A_248 : vector<16xf32>
          %sub3A_253 = arith.subf %add3A_252, %get3A_251 : vector<16xf32>
          %mul3A_254 = arith.mulf %sub3A_253, %sub3A_253 : vector<16xf32>
          %add3A_255 = arith.addf %add3A_242, %mul3A_254 : vector<16xf32>
          %get3A_256 = arith.index_cast %add3A_166 : i32 to index
          %get3A_257 = arith.constant 112 : index
          %get3A_258 = tpu.vector_load %arg11[%get3A_256, %get3A_257] {strides = array<i32>} : memref<64x128xf32, #tpu.memory_space<vmem>>, vector<16xf32>,
          %get3A_259 = arith.index_cast %add3A_166 : i32 to index
          %get3A_260 = arith.constant 112 : index
          %get3A_261 = tpu.vector_load %arg13[%get3A_259, %get3A_260] {strides = array<i32>} : memref<64x128xf32, #tpu.memory_space<vmem>>, vector<16xf32>,
          %get3A_262 = arith.index_cast %add3A_166 : i32 to index
          %get3A_263 = arith.constant 112 : index
          %get3A_264 = tpu.vector_load %arg15[%get3A_262, %get3A_263] {strides = array<i32>} : memref<64x128xf32, #tpu.memory_space<vmem>>, vector<16xf32>,
          %add3A_265 = arith.addf %get3A_258, %get3A_261 : vector<16xf32>
          %sub3A_266 = arith.subf %add3A_265, %get3A_264 : vector<16xf32>
          %mul3A_267 = arith.mulf %sub3A_266, %sub3A_266 : vector<16xf32>
          %add3A_268 = arith.addf %add3A_255, %mul3A_267 : vector<16xf32>
          %mul3A_269 = arith.constant 4 : i32
          %mul3A_270 = arith.muli %scan3A_160, %mul3A_269 : i32
          %add3A_271 = arith.constant 0 : i32
          %add3A_272 = arith.addi %mul3A_270, %add3A_271 : i32
          %eq3A = vector.broadcast %add3A_272 : i32 to vector<16xi32>
          %eq3A_273 = arith.cmpi eq, %iota3A, %eq3A : vector<16xi32>
          %reduce_sum3A = arith.constant true
          %reduce_sum3A_274 = vector.broadcast %reduce_sum3A : i1 to vector<16xi1>
          %reduce_sum3A_275 = tpu.scan <sum>, %add3A_268 masked %reduce_sum3A_274 : vector<16xf32>, vector<16xi1> -> vector<16xf32>
          %reduce_sum3A_276 = vector.extract %reduce_sum3A_275[15] : f32 from vector<16xf32>
          %broadcast_in_dim3A_277 = vector.broadcast %reduce_sum3A_276 : f32 to vector<16xf32>
          %select_n3A = arith.select %eq3A_273, %broadcast_in_dim3A_277, %scan3A_161 : vector<16xi1>, vector<16xf32>
          %mul3A_278 = arith.constant 4 : i32
          %mul3A_279 = arith.muli %scan3A_160, %mul3A_278 : i32
          %add3A_280 = arith.addi %mul3A_116, %mul3A_279 : i32
          %add3A_281 = arith.constant 1 : i32
          %add3A_282 = arith.addi %add3A_280, %add3A_281 : i32
          %get3A_283 = arith.index_cast %add3A_282 : i32 to index
          %get3A_284 = arith.constant 0 : index
          %get3A_285 = tpu.vector_load %arg11[%get3A_283, %get3A_284] {strides = array<i32>} : memref<64x128xf32, #tpu.memory_space<vmem>>, vector<16xf32>,
          %get3A_286 = arith.index_cast %add3A_282 : i32 to index
          %get3A_287 = arith.constant 0 : index
          %get3A_288 = tpu.vector_load %arg13[%get3A_286, %get3A_287] {strides = array<i32>} : memref<64x128xf32, #tpu.memory_space<vmem>>, vector<16xf32>,
          %get3A_289 = arith.index_cast %add3A_282 : i32 to index
          %get3A_290 = arith.constant 0 : index
          %get3A_291 = tpu.vector_load %arg15[%get3A_289, %get3A_290] {strides = array<i32>} : memref<64x128xf32, #tpu.memory_space<vmem>>, vector<16xf32>,
          %add3A_292 = arith.addf %get3A_285, %get3A_288 : vector<16xf32>
          %sub3A_293 = arith.subf %add3A_292, %get3A_291 : vector<16xf32>
          %mul3A_294 = arith.mulf %sub3A_293, %sub3A_293 : vector<16xf32>
          %get3A_295 = arith.index_cast %add3A_282 : i32 to index
          %get3A_296 = arith.constant 16 : index
          %get3A_297 = tpu.vector_load %arg11[%get3A_295, %get3A_296] {strides = array<i32>} : memref<64x128xf32, #tpu.memory_space<vmem>>, vector<16xf32>,
          %get3A_298 = arith.index_cast %add3A_282 : i32 to index
          %get3A_299 = arith.constant 16 : index
          %get3A_300 = tpu.vector_load %arg13[%get3A_298, %get3A_299] {strides = array<i32>} : memref<64x128xf32, #tpu.memory_space<vmem>>, vector<16xf32>,
          %get3A_301 = arith.index_cast %add3A_282 : i32 to index
          %get3A_302 = arith.constant 16 : index
          %get3A_303 = tpu.vector_load %arg15[%get3A_301, %get3A_302] {strides = array<i32>} : memref<64x128xf32, #tpu.memory_space<vmem>>, vector<16xf32>,
          %add3A_304 = arith.addf %get3A_297, %get3A_300 : vector<16xf32>
          %sub3A_305 = arith.subf %add3A_304, %get3A_303 : vector<16xf32>
          %mul3A_306 = arith.mulf %sub3A_305, %sub3A_305 : vector<16xf32>
          %add3A_307 = arith.addf %mul3A_294, %mul3A_306 : vector<16xf32>
          %get3A_308 = arith.index_cast %add3A_282 : i32 to index
          %get3A_309 = arith.constant 32 : index
          %get3A_310 = tpu.vector_load %arg11[%get3A_308, %get3A_309] {strides = array<i32>} : memref<64x128xf32, #tpu.memory_space<vmem>>, vector<16xf32>,
          %get3A_311 = arith.index_cast %add3A_282 : i32 to index
          %get3A_312 = arith.constant 32 : index
          %get3A_313 = tpu.vector_load %arg13[%get3A_311, %get3A_312] {strides = array<i32>} : memref<64x128xf32, #tpu.memory_space<vmem>>, vector<16xf32>,
          %get3A_314 = arith.index_cast %add3A_282 : i32 to index
          %get3A_315 = arith.constant 32 : index
          %get3A_316 = tpu.vector_load %arg15[%get3A_314, %get3A_315] {strides = array<i32>} : memref<64x128xf32, #tpu.memory_space<vmem>>, vector<16xf32>,
          %add3A_317 = arith.addf %get3A_310, %get3A_313 : vector<16xf32>
          %sub3A_318 = arith.subf %add3A_317, %get3A_316 : vector<16xf32>
          %mul3A_319 = arith.mulf %sub3A_318, %sub3A_318 : vector<16xf32>
          %add3A_320 = arith.addf %add3A_307, %mul3A_319 : vector<16xf32>
          %get3A_321 = arith.index_cast %add3A_282 : i32 to index
          %get3A_322 = arith.constant 48 : index
          %get3A_323 = tpu.vector_load %arg11[%get3A_321, %get3A_322] {strides = array<i32>} : memref<64x128xf32, #tpu.memory_space<vmem>>, vector<16xf32>,
          %get3A_324 = arith.index_cast %add3A_282 : i32 to index
          %get3A_325 = arith.constant 48 : index
          %get3A_326 = tpu.vector_load %arg13[%get3A_324, %get3A_325] {strides = array<i32>} : memref<64x128xf32, #tpu.memory_space<vmem>>, vector<16xf32>,
          %get3A_327 = arith.index_cast %add3A_282 : i32 to index
          %get3A_328 = arith.constant 48 : index
          %get3A_329 = tpu.vector_load %arg15[%get3A_327, %get3A_328] {strides = array<i32>} : memref<64x128xf32, #tpu.memory_space<vmem>>, vector<16xf32>,
          %add3A_330 = arith.addf %get3A_323, %get3A_326 : vector<16xf32>
          %sub3A_331 = arith.subf %add3A_330, %get3A_329 : vector<16xf32>
          %mul3A_332 = arith.mulf %sub3A_331, %sub3A_331 : vector<16xf32>
          %add3A_333 = arith.addf %add3A_320, %mul3A_332 : vector<16xf32>
          %get3A_334 = arith.index_cast %add3A_282 : i32 to index
          %get3A_335 = arith.constant 64 : index
          %get3A_336 = tpu.vector_load %arg11[%get3A_334, %get3A_335] {strides = array<i32>} : memref<64x128xf32, #tpu.memory_space<vmem>>, vector<16xf32>,
          %get3A_337 = arith.index_cast %add3A_282 : i32 to index
          %get3A_338 = arith.constant 64 : index
          %get3A_339 = tpu.vector_load %arg13[%get3A_337, %get3A_338] {strides = array<i32>} : memref<64x128xf32, #tpu.memory_space<vmem>>, vector<16xf32>,
          %get3A_340 = arith.index_cast %add3A_282 : i32 to index
          %get3A_341 = arith.constant 64 : index
          %get3A_342 = tpu.vector_load %arg15[%get3A_340, %get3A_341] {strides = array<i32>} : memref<64x128xf32, #tpu.memory_space<vmem>>, vector<16xf32>,
          %add3A_343 = arith.addf %get3A_336, %get3A_339 : vector<16xf32>
          %sub3A_344 = arith.subf %add3A_343, %get3A_342 : vector<16xf32>
          %mul3A_345 = arith.mulf %sub3A_344, %sub3A_344 : vector<16xf32>
          %add3A_346 = arith.addf %add3A_333, %mul3A_345 : vector<16xf32>
          %get3A_347 = arith.index_cast %add3A_282 : i32 to index
          %get3A_348 = arith.constant 80 : index
          %get3A_349 = tpu.vector_load %arg11[%get3A_347, %get3A_348] {strides = array<i32>} : memref<64x128xf32, #tpu.memory_space<vmem>>, vector<16xf32>,
          %get3A_350 = arith.index_cast %add3A_282 : i32 to index
          %get3A_351 = arith.constant 80 : index
          %get3A_352 = tpu.vector_load %arg13[%get3A_350, %get3A_351] {strides = array<i32>} : memref<64x128xf32, #tpu.memory_space<vmem>>, vector<16xf32>,
          %get3A_353 = arith.index_cast %add3A_282 : i32 to index
          %get3A_354 = arith.constant 80 : index
          %get3A_355 = tpu.vector_load %arg15[%get3A_353, %get3A_354] {strides = array<i32>} : memref<64x128xf32, #tpu.memory_space<vmem>>, vector<16xf32>,
          %add3A_356 = arith.addf %get3A_349, %get3A_352 : vector<16xf32>
          %sub3A_357 = arith.subf %add3A_356, %get3A_355 : vector<16xf32>
          %mul3A_358 = arith.mulf %sub3A_357, %sub3A_357 : vector<16xf32>
          %add3A_359 = arith.addf %add3A_346, %mul3A_358 : vector<16xf32>
          %get3A_360 = arith.index_cast %add3A_282 : i32 to index
          %get3A_361 = arith.constant 96 : index
          %get3A_362 = tpu.vector_load %arg11[%get3A_360, %get3A_361] {strides = array<i32>} : memref<64x128xf32, #tpu.memory_space<vmem>>, vector<16xf32>,
          %get3A_363 = arith.index_cast %add3A_282 : i32 to index
          %get3A_364 = arith.constant 96 : index
          %get3A_365 = tpu.vector_load %arg13[%get3A_363, %get3A_364] {strides = array<i32>} : memref<64x128xf32, #tpu.memory_space<vmem>>, vector<16xf32>,
          %get3A_366 = arith.index_cast %add3A_282 : i32 to index
          %get3A_367 = arith.constant 96 : index
          %get3A_368 = tpu.vector_load %arg15[%get3A_366, %get3A_367] {strides = array<i32>} : memref<64x128xf32, #tpu.memory_space<vmem>>, vector<16xf32>,
          %add3A_369 = arith.addf %get3A_362, %get3A_365 : vector<16xf32>
          %sub3A_370 = arith.subf %add3A_369, %get3A_368 : vector<16xf32>
          %mul3A_371 = arith.mulf %sub3A_370, %sub3A_370 : vector<16xf32>
          %add3A_372 = arith.addf %add3A_359, %mul3A_371 : vector<16xf32>
          %get3A_373 = arith.index_cast %add3A_282 : i32 to index
          %get3A_374 = arith.constant 112 : index
          %get3A_375 = tpu.vector_load %arg11[%get3A_373, %get3A_374] {strides = array<i32>} : memref<64x128xf32, #tpu.memory_space<vmem>>, vector<16xf32>,
          %get3A_376 = arith.index_cast %add3A_282 : i32 to index
          %get3A_377 = arith.constant 112 : index
          %get3A_378 = tpu.vector_load %arg13[%get3A_376, %get3A_377] {strides = array<i32>} : memref<64x128xf32, #tpu.memory_space<vmem>>, vector<16xf32>,
          %get3A_379 = arith.index_cast %add3A_282 : i32 to index
          %get3A_380 = arith.constant 112 : index
          %get3A_381 = tpu.vector_load %arg15[%get3A_379, %get3A_380] {strides = array<i32>} : memref<64x128xf32, #tpu.memory_space<vmem>>, vector<16xf32>,
          %add3A_382 = arith.addf %get3A_375, %get3A_378 : vector<16xf32>
          %sub3A_383 = arith.subf %add3A_382, %get3A_381 : vector<16xf32>
          %mul3A_384 = arith.mulf %sub3A_383, %sub3A_383 : vector<16xf32>
          %add3A_385 = arith.addf %add3A_372, %mul3A_384 : vector<16xf32>
          %mul3A_386 = arith.constant 4 : i32
          %mul3A_387 = arith.muli %scan3A_160, %mul3A_386 : i32
          %add3A_388 = arith.constant 1 : i32
          %add3A_389 = arith.addi %mul3A_387, %add3A_388 : i32
          %eq3A_390 = vector.broadcast %add3A_389 : i32 to vector<16xi32>
          %eq3A_391 = arith.cmpi eq, %iota3A, %eq3A_390 : vector<16xi32>
          %reduce_sum3A_392 = arith.constant true
          %reduce_sum3A_393 = vector.broadcast %reduce_sum3A_392 : i1 to vector<16xi1>
          %reduce_sum3A_394 = tpu.scan <sum>, %add3A_385 masked %reduce_sum3A_393 : vector<16xf32>, vector<16xi1> -> vector<16xf32>
          %reduce_sum3A_395 = vector.extract %reduce_sum3A_394[15] : f32 from vector<16xf32>
          %broadcast_in_dim3A_396 = vector.broadcast %reduce_sum3A_395 : f32 to vector<16xf32>
          %select_n3A_397 = arith.select %eq3A_391, %broadcast_in_dim3A_396, %select_n3A : vector<16xi1>, vector<16xf32>
          %mul3A_398 = arith.constant 4 : i32
          %mul3A_399 = arith.muli %scan3A_160, %mul3A_398 : i32
          %add3A_400 = arith.addi %mul3A_116, %mul3A_399 : i32
          %add3A_401 = arith.constant 2 : i32
          %add3A_402 = arith.addi %add3A_400, %add3A_401 : i32
          %get3A_403 = arith.index_cast %add3A_402 : i32 to index
          %get3A_404 = arith.constant 0 : index
          %get3A_405 = tpu.vector_load %arg11[%get3A_403, %get3A_404] {strides = array<i32>} : memref<64x128xf32, #tpu.memory_space<vmem>>, vector<16xf32>,
          %get3A_406 = arith.index_cast %add3A_402 : i32 to index
          %get3A_407 = arith.constant 0 : index
          %get3A_408 = tpu.vector_load %arg13[%get3A_406, %get3A_407] {strides = array<i32>} : memref<64x128xf32, #tpu.memory_space<vmem>>, vector<16xf32>,
          %get3A_409 = arith.index_cast %add3A_402 : i32 to index
          %get3A_410 = arith.constant 0 : index
          %get3A_411 = tpu.vector_load %arg15[%get3A_409, %get3A_410] {strides = array<i32>} : memref<64x128xf32, #tpu.memory_space<vmem>>, vector<16xf32>,
          %add3A_412 = arith.addf %get3A_405, %get3A_408 : vector<16xf32>
          %sub3A_413 = arith.subf %add3A_412, %get3A_411 : vector<16xf32>
          %mul3A_414 = arith.mulf %sub3A_413, %sub3A_413 : vector<16xf32>
          %get3A_415 = arith.index_cast %add3A_402 : i32 to index
          %get3A_416 = arith.constant 16 : index
          %get3A_417 = tpu.vector_load %arg11[%get3A_415, %get3A_416] {strides = array<i32>} : memref<64x128xf32, #tpu.memory_space<vmem>>, vector<16xf32>,
          %get3A_418 = arith.index_cast %add3A_402 : i32 to index
          %get3A_419 = arith.constant 16 : index
          %get3A_420 = tpu.vector_load %arg13[%get3A_418, %get3A_419] {strides = array<i32>} : memref<64x128xf32, #tpu.memory_space<vmem>>, vector<16xf32>,
          %get3A_421 = arith.index_cast %add3A_402 : i32 to index
          %get3A_422 = arith.constant 16 : index
          %get3A_423 = tpu.vector_load %arg15[%get3A_421, %get3A_422] {strides = array<i32>} : memref<64x128xf32, #tpu.memory_space<vmem>>, vector<16xf32>,
          %add3A_424 = arith.addf %get3A_417, %get3A_420 : vector<16xf32>
          %sub3A_425 = arith.subf %add3A_424, %get3A_423 : vector<16xf32>
          %mul3A_426 = arith.mulf %sub3A_425, %sub3A_425 : vector<16xf32>
          %add3A_427 = arith.addf %mul3A_414, %mul3A_426 : vector<16xf32>
          %get3A_428 = arith.index_cast %add3A_402 : i32 to index
          %get3A_429 = arith.constant 32 : index
          %get3A_430 = tpu.vector_load %arg11[%get3A_428, %get3A_429] {strides = array<i32>} : memref<64x128xf32, #tpu.memory_space<vmem>>, vector<16xf32>,
          %get3A_431 = arith.index_cast %add3A_402 : i32 to index
          %get3A_432 = arith.constant 32 : index
          %get3A_433 = tpu.vector_load %arg13[%get3A_431, %get3A_432] {strides = array<i32>} : memref<64x128xf32, #tpu.memory_space<vmem>>, vector<16xf32>,
          %get3A_434 = arith.index_cast %add3A_402 : i32 to index
          %get3A_435 = arith.constant 32 : index
          %get3A_436 = tpu.vector_load %arg15[%get3A_434, %get3A_435] {strides = array<i32>} : memref<64x128xf32, #tpu.memory_space<vmem>>, vector<16xf32>,
          %add3A_437 = arith.addf %get3A_430, %get3A_433 : vector<16xf32>
          %sub3A_438 = arith.subf %add3A_437, %get3A_436 : vector<16xf32>
          %mul3A_439 = arith.mulf %sub3A_438, %sub3A_438 : vector<16xf32>
          %add3A_440 = arith.addf %add3A_427, %mul3A_439 : vector<16xf32>
          %get3A_441 = arith.index_cast %add3A_402 : i32 to index
          %get3A_442 = arith.constant 48 : index
          %get3A_443 = tpu.vector_load %arg11[%get3A_441, %get3A_442] {strides = array<i32>} : memref<64x128xf32, #tpu.memory_space<vmem>>, vector<16xf32>,
          %get3A_444 = arith.index_cast %add3A_402 : i32 to index
          %get3A_445 = arith.constant 48 : index
          %get3A_446 = tpu.vector_load %arg13[%get3A_444, %get3A_445] {strides = array<i32>} : memref<64x128xf32, #tpu.memory_space<vmem>>, vector<16xf32>,
          %get3A_447 = arith.index_cast %add3A_402 : i32 to index
          %get3A_448 = arith.constant 48 : index
          %get3A_449 = tpu.vector_load %arg15[%get3A_447, %get3A_448] {strides = array<i32>} : memref<64x128xf32, #tpu.memory_space<vmem>>, vector<16xf32>,
          %add3A_450 = arith.addf %get3A_443, %get3A_446 : vector<16xf32>
          %sub3A_451 = arith.subf %add3A_450, %get3A_449 : vector<16xf32>
          %mul3A_452 = arith.mulf %sub3A_451, %sub3A_451 : vector<16xf32>
          %add3A_453 = arith.addf %add3A_440, %mul3A_452 : vector<16xf32>
          %get3A_454 = arith.index_cast %add3A_402 : i32 to index
          %get3A_455 = arith.constant 64 : index
          %get3A_456 = tpu.vector_load %arg11[%get3A_454, %get3A_455] {strides = array<i32>} : memref<64x128xf32, #tpu.memory_space<vmem>>, vector<16xf32>,
          %get3A_457 = arith.index_cast %add3A_402 : i32 to index
          %get3A_458 = arith.constant 64 : index
          %get3A_459 = tpu.vector_load %arg13[%get3A_457, %get3A_458] {strides = array<i32>} : memref<64x128xf32, #tpu.memory_space<vmem>>, vector<16xf32>,
          %get3A_460 = arith.index_cast %add3A_402 : i32 to index
          %get3A_461 = arith.constant 64 : index
          %get3A_462 = tpu.vector_load %arg15[%get3A_460, %get3A_461] {strides = array<i32>} : memref<64x128xf32, #tpu.memory_space<vmem>>, vector<16xf32>,
          %add3A_463 = arith.addf %get3A_456, %get3A_459 : vector<16xf32>
          %sub3A_464 = arith.subf %add3A_463, %get3A_462 : vector<16xf32>
          %mul3A_465 = arith.mulf %sub3A_464, %sub3A_464 : vector<16xf32>
          %add3A_466 = arith.addf %add3A_453, %mul3A_465 : vector<16xf32>
          %get3A_467 = arith.index_cast %add3A_402 : i32 to index
          %get3A_468 = arith.constant 80 : index
          %get3A_469 = tpu.vector_load %arg11[%get3A_467, %get3A_468] {strides = array<i32>} : memref<64x128xf32, #tpu.memory_space<vmem>>, vector<16xf32>,
          %get3A_470 = arith.index_cast %add3A_402 : i32 to index
          %get3A_471 = arith.constant 80 : index
          %get3A_472 = tpu.vector_load %arg13[%get3A_470, %get3A_471] {strides = array<i32>} : memref<64x128xf32, #tpu.memory_space<vmem>>, vector<16xf32>,
          %get3A_473 = arith.index_cast %add3A_402 : i32 to index
          %get3A_474 = arith.constant 80 : index
          %get3A_475 = tpu.vector_load %arg15[%get3A_473, %get3A_474] {strides = array<i32>} : memref<64x128xf32, #tpu.memory_space<vmem>>, vector<16xf32>,
          %add3A_476 = arith.addf %get3A_469, %get3A_472 : vector<16xf32>
          %sub3A_477 = arith.subf %add3A_476, %get3A_475 : vector<16xf32>
          %mul3A_478 = arith.mulf %sub3A_477, %sub3A_477 : vector<16xf32>
          %add3A_479 = arith.addf %add3A_466, %mul3A_478 : vector<16xf32>
          %get3A_480 = arith.index_cast %add3A_402 : i32 to index
          %get3A_481 = arith.constant 96 : index
          %get3A_482 = tpu.vector_load %arg11[%get3A_480, %get3A_481] {strides = array<i32>} : memref<64x128xf32, #tpu.memory_space<vmem>>, vector<16xf32>,
          %get3A_483 = arith.index_cast %add3A_402 : i32 to index
          %get3A_484 = arith.constant 96 : index
          %get3A_485 = tpu.vector_load %arg13[%get3A_483, %get3A_484] {strides = array<i32>} : memref<64x128xf32, #tpu.memory_space<vmem>>, vector<16xf32>,
          %get3A_486 = arith.index_cast %add3A_402 : i32 to index
          %get3A_487 = arith.constant 96 : index
          %get3A_488 = tpu.vector_load %arg15[%get3A_486, %get3A_487] {strides = array<i32>} : memref<64x128xf32, #tpu.memory_space<vmem>>, vector<16xf32>,
          %add3A_489 = arith.addf %get3A_482, %get3A_485 : vector<16xf32>
          %sub3A_490 = arith.subf %add3A_489, %get3A_488 : vector<16xf32>
          %mul3A_491 = arith.mulf %sub3A_490, %sub3A_490 : vector<16xf32>
          %add3A_492 = arith.addf %add3A_479, %mul3A_491 : vector<16xf32>
          %get3A_493 = arith.index_cast %add3A_402 : i32 to index
          %get3A_494 = arith.constant 112 : index
          %get3A_495 = tpu.vector_load %arg11[%get3A_493, %get3A_494] {strides = array<i32>} : memref<64x128xf32, #tpu.memory_space<vmem>>, vector<16xf32>,
          %get3A_496 = arith.index_cast %add3A_402 : i32 to index
          %get3A_497 = arith.constant 112 : index
          %get3A_498 = tpu.vector_load %arg13[%get3A_496, %get3A_497] {strides = array<i32>} : memref<64x128xf32, #tpu.memory_space<vmem>>, vector<16xf32>,
          %get3A_499 = arith.index_cast %add3A_402 : i32 to index
          %get3A_500 = arith.constant 112 : index
          %get3A_501 = tpu.vector_load %arg15[%get3A_499, %get3A_500] {strides = array<i32>} : memref<64x128xf32, #tpu.memory_space<vmem>>, vector<16xf32>,
          %add3A_502 = arith.addf %get3A_495, %get3A_498 : vector<16xf32>
          %sub3A_503 = arith.subf %add3A_502, %get3A_501 : vector<16xf32>
          %mul3A_504 = arith.mulf %sub3A_503, %sub3A_503 : vector<16xf32>
          %add3A_505 = arith.addf %add3A_492, %mul3A_504 : vector<16xf32>
          %mul3A_506 = arith.constant 4 : i32
          %mul3A_507 = arith.muli %scan3A_160, %mul3A_506 : i32
          %add3A_508 = arith.constant 2 : i32
          %add3A_509 = arith.addi %mul3A_507, %add3A_508 : i32
          %eq3A_510 = vector.broadcast %add3A_509 : i32 to vector<16xi32>
          %eq3A_511 = arith.cmpi eq, %iota3A, %eq3A_510 : vector<16xi32>
          %reduce_sum3A_512 = arith.constant true
          %reduce_sum3A_513 = vector.broadcast %reduce_sum3A_512 : i1 to vector<16xi1>
          %reduce_sum3A_514 = tpu.scan <sum>, %add3A_505 masked %reduce_sum3A_513 : vector<16xf32>, vector<16xi1> -> vector<16xf32>
          %reduce_sum3A_515 = vector.extract %reduce_sum3A_514[15] : f32 from vector<16xf32>
          %broadcast_in_dim3A_516 = vector.broadcast %reduce_sum3A_515 : f32 to vector<16xf32>
          %select_n3A_517 = arith.select %eq3A_511, %broadcast_in_dim3A_516, %select_n3A_397 : vector<16xi1>, vector<16xf32>
          %mul3A_518 = arith.constant 4 : i32
          %mul3A_519 = arith.muli %scan3A_160, %mul3A_518 : i32
          %add3A_520 = arith.addi %mul3A_116, %mul3A_519 : i32
          %add3A_521 = arith.constant 3 : i32
          %add3A_522 = arith.addi %add3A_520, %add3A_521 : i32
          %get3A_523 = arith.index_cast %add3A_522 : i32 to index
          %get3A_524 = arith.constant 0 : index
          %get3A_525 = tpu.vector_load %arg11[%get3A_523, %get3A_524] {strides = array<i32>} : memref<64x128xf32, #tpu.memory_space<vmem>>, vector<16xf32>,
          %get3A_526 = arith.index_cast %add3A_522 : i32 to index
          %get3A_527 = arith.constant 0 : index
          %get3A_528 = tpu.vector_load %arg13[%get3A_526, %get3A_527] {strides = array<i32>} : memref<64x128xf32, #tpu.memory_space<vmem>>, vector<16xf32>,
          %get3A_529 = arith.index_cast %add3A_522 : i32 to index
          %get3A_530 = arith.constant 0 : index
          %get3A_531 = tpu.vector_load %arg15[%get3A_529, %get3A_530] {strides = array<i32>} : memref<64x128xf32, #tpu.memory_space<vmem>>, vector<16xf32>,
          %add3A_532 = arith.addf %get3A_525, %get3A_528 : vector<16xf32>
          %sub3A_533 = arith.subf %add3A_532, %get3A_531 : vector<16xf32>
          %mul3A_534 = arith.mulf %sub3A_533, %sub3A_533 : vector<16xf32>
          %get3A_535 = arith.index_cast %add3A_522 : i32 to index
          %get3A_536 = arith.constant 16 : index
          %get3A_537 = tpu.vector_load %arg11[%get3A_535, %get3A_536] {strides = array<i32>} : memref<64x128xf32, #tpu.memory_space<vmem>>, vector<16xf32>,
          %get3A_538 = arith.index_cast %add3A_522 : i32 to index
          %get3A_539 = arith.constant 16 : index
          %get3A_540 = tpu.vector_load %arg13[%get3A_538, %get3A_539] {strides = array<i32>} : memref<64x128xf32, #tpu.memory_space<vmem>>, vector<16xf32>,
          %get3A_541 = arith.index_cast %add3A_522 : i32 to index
          %get3A_542 = arith.constant 16 : index
          %get3A_543 = tpu.vector_load %arg15[%get3A_541, %get3A_542] {strides = array<i32>} : memref<64x128xf32, #tpu.memory_space<vmem>>, vector<16xf32>,
          %add3A_544 = arith.addf %get3A_537, %get3A_540 : vector<16xf32>
          %sub3A_545 = arith.subf %add3A_544, %get3A_543 : vector<16xf32>
          %mul3A_546 = arith.mulf %sub3A_545, %sub3A_545 : vector<16xf32>
          %add3A_547 = arith.addf %mul3A_534, %mul3A_546 : vector<16xf32>
          %get3A_548 = arith.index_cast %add3A_522 : i32 to index
          %get3A_549 = arith.constant 32 : index
          %get3A_550 = tpu.vector_load %arg11[%get3A_548, %get3A_549] {strides = array<i32>} : memref<64x128xf32, #tpu.memory_space<vmem>>, vector<16xf32>,
          %get3A_551 = arith.index_cast %add3A_522 : i32 to index
          %get3A_552 = arith.constant 32 : index
          %get3A_553 = tpu.vector_load %arg13[%get3A_551, %get3A_552] {strides = array<i32>} : memref<64x128xf32, #tpu.memory_space<vmem>>, vector<16xf32>,
          %get3A_554 = arith.index_cast %add3A_522 : i32 to index
          %get3A_555 = arith.constant 32 : index
          %get3A_556 = tpu.vector_load %arg15[%get3A_554, %get3A_555] {strides = array<i32>} : memref<64x128xf32, #tpu.memory_space<vmem>>, vector<16xf32>,
          %add3A_557 = arith.addf %get3A_550, %get3A_553 : vector<16xf32>
          %sub3A_558 = arith.subf %add3A_557, %get3A_556 : vector<16xf32>
          %mul3A_559 = arith.mulf %sub3A_558, %sub3A_558 : vector<16xf32>
          %add3A_560 = arith.addf %add3A_547, %mul3A_559 : vector<16xf32>
          %get3A_561 = arith.index_cast %add3A_522 : i32 to index
          %get3A_562 = arith.constant 48 : index
          %get3A_563 = tpu.vector_load %arg11[%get3A_561, %get3A_562] {strides = array<i32>} : memref<64x128xf32, #tpu.memory_space<vmem>>, vector<16xf32>,
          %get3A_564 = arith.index_cast %add3A_522 : i32 to index
          %get3A_565 = arith.constant 48 : index
          %get3A_566 = tpu.vector_load %arg13[%get3A_564, %get3A_565] {strides = array<i32>} : memref<64x128xf32, #tpu.memory_space<vmem>>, vector<16xf32>,
          %get3A_567 = arith.index_cast %add3A_522 : i32 to index
          %get3A_568 = arith.constant 48 : index
          %get3A_569 = tpu.vector_load %arg15[%get3A_567, %get3A_568] {strides = array<i32>} : memref<64x128xf32, #tpu.memory_space<vmem>>, vector<16xf32>,
          %add3A_570 = arith.addf %get3A_563, %get3A_566 : vector<16xf32>
          %sub3A_571 = arith.subf %add3A_570, %get3A_569 : vector<16xf32>
          %mul3A_572 = arith.mulf %sub3A_571, %sub3A_571 : vector<16xf32>
          %add3A_573 = arith.addf %add3A_560, %mul3A_572 : vector<16xf32>
          %get3A_574 = arith.index_cast %add3A_522 : i32 to index
          %get3A_575 = arith.constant 64 : index
          %get3A_576 = tpu.vector_load %arg11[%get3A_574, %get3A_575] {strides = array<i32>} : memref<64x128xf32, #tpu.memory_space<vmem>>, vector<16xf32>,
          %get3A_577 = arith.index_cast %add3A_522 : i32 to index
          %get3A_578 = arith.constant 64 : index
          %get3A_579 = tpu.vector_load %arg13[%get3A_577, %get3A_578] {strides = array<i32>} : memref<64x128xf32, #tpu.memory_space<vmem>>, vector<16xf32>,
          %get3A_580 = arith.index_cast %add3A_522 : i32 to index
          %get3A_581 = arith.constant 64 : index
          %get3A_582 = tpu.vector_load %arg15[%get3A_580, %get3A_581] {strides = array<i32>} : memref<64x128xf32, #tpu.memory_space<vmem>>, vector<16xf32>,
          %add3A_583 = arith.addf %get3A_576, %get3A_579 : vector<16xf32>
          %sub3A_584 = arith.subf %add3A_583, %get3A_582 : vector<16xf32>
          %mul3A_585 = arith.mulf %sub3A_584, %sub3A_584 : vector<16xf32>
          %add3A_586 = arith.addf %add3A_573, %mul3A_585 : vector<16xf32>
          %get3A_587 = arith.index_cast %add3A_522 : i32 to index
          %get3A_588 = arith.constant 80 : index
          %get3A_589 = tpu.vector_load %arg11[%get3A_587, %get3A_588] {strides = array<i32>} : memref<64x128xf32, #tpu.memory_space<vmem>>, vector<16xf32>,
          %get3A_590 = arith.index_cast %add3A_522 : i32 to index
          %get3A_591 = arith.constant 80 : index
          %get3A_592 = tpu.vector_load %arg13[%get3A_590, %get3A_591] {strides = array<i32>} : memref<64x128xf32, #tpu.memory_space<vmem>>, vector<16xf32>,
          %get3A_593 = arith.index_cast %add3A_522 : i32 to index
          %get3A_594 = arith.constant 80 : index
          %get3A_595 = tpu.vector_load %arg15[%get3A_593, %get3A_594] {strides = array<i32>} : memref<64x128xf32, #tpu.memory_space<vmem>>, vector<16xf32>,
          %add3A_596 = arith.addf %get3A_589, %get3A_592 : vector<16xf32>
          %sub3A_597 = arith.subf %add3A_596, %get3A_595 : vector<16xf32>
          %mul3A_598 = arith.mulf %sub3A_597, %sub3A_597 : vector<16xf32>
          %add3A_599 = arith.addf %add3A_586, %mul3A_598 : vector<16xf32>
          %get3A_600 = arith.index_cast %add3A_522 : i32 to index
          %get3A_601 = arith.constant 96 : index
          %get3A_602 = tpu.vector_load %arg11[%get3A_600, %get3A_601] {strides = array<i32>} : memref<64x128xf32, #tpu.memory_space<vmem>>, vector<16xf32>,
          %get3A_603 = arith.index_cast %add3A_522 : i32 to index
          %get3A_604 = arith.constant 96 : index
          %get3A_605 = tpu.vector_load %arg13[%get3A_603, %get3A_604] {strides = array<i32>} : memref<64x128xf32, #tpu.memory_space<vmem>>, vector<16xf32>,
          %get3A_606 = arith.index_cast %add3A_522 : i32 to index
          %get3A_607 = arith.constant 96 : index
          %get3A_608 = tpu.vector_load %arg15[%get3A_606, %get3A_607] {strides = array<i32>} : memref<64x128xf32, #tpu.memory_space<vmem>>, vector<16xf32>,
          %add3A_609 = arith.addf %get3A_602, %get3A_605 : vector<16xf32>
          %sub3A_610 = arith.subf %add3A_609, %get3A_608 : vector<16xf32>
          %mul3A_611 = arith.mulf %sub3A_610, %sub3A_610 : vector<16xf32>
          %add3A_612 = arith.addf %add3A_599, %mul3A_611 : vector<16xf32>
          %get3A_613 = arith.index_cast %add3A_522 : i32 to index
          %get3A_614 = arith.constant 112 : index
          %get3A_615 = tpu.vector_load %arg11[%get3A_613, %get3A_614] {strides = array<i32>} : memref<64x128xf32, #tpu.memory_space<vmem>>, vector<16xf32>,
          %get3A_616 = arith.index_cast %add3A_522 : i32 to index
          %get3A_617 = arith.constant 112 : index
          %get3A_618 = tpu.vector_load %arg13[%get3A_616, %get3A_617] {strides = array<i32>} : memref<64x128xf32, #tpu.memory_space<vmem>>, vector<16xf32>,
          %get3A_619 = arith.index_cast %add3A_522 : i32 to index
          %get3A_620 = arith.constant 112 : index
          %get3A_621 = tpu.vector_load %arg15[%get3A_619, %get3A_620] {strides = array<i32>} : memref<64x128xf32, #tpu.memory_space<vmem>>, vector<16xf32>,
          %add3A_622 = arith.addf %get3A_615, %get3A_618 : vector<16xf32>
          %sub3A_623 = arith.subf %add3A_622, %get3A_621 : vector<16xf32>
          %mul3A_624 = arith.mulf %sub3A_623, %sub3A_623 : vector<16xf32>
          %add3A_625 = arith.addf %add3A_612, %mul3A_624 : vector<16xf32>
          %mul3A_626 = arith.constant 4 : i32
          %mul3A_627 = arith.muli %scan3A_160, %mul3A_626 : i32
          %add3A_628 = arith.constant 3 : i32
          %add3A_629 = arith.addi %mul3A_627, %add3A_628 : i32
          %eq3A_630 = vector.broadcast %add3A_629 : i32 to vector<16xi32>
          %eq3A_631 = arith.cmpi eq, %iota3A, %eq3A_630 : vector<16xi32>
          %reduce_sum3A_632 = arith.constant true
          %reduce_sum3A_633 = vector.broadcast %reduce_sum3A_632 : i1 to vector<16xi1>
          %reduce_sum3A_634 = tpu.scan <sum>, %add3A_625 masked %reduce_sum3A_633 : vector<16xf32>, vector<16xi1> -> vector<16xf32>
          %reduce_sum3A_635 = vector.extract %reduce_sum3A_634[15] : f32 from vector<16xf32>
          %broadcast_in_dim3A_636 = vector.broadcast %reduce_sum3A_635 : f32 to vector<16xf32>
          %select_n3A_637 = arith.select %eq3A_631, %broadcast_in_dim3A_636, %select_n3A_517 : vector<16xi1>, vector<16xf32>
          scf.yield %select_n3A_637 : vector<16xf32>
        }
        %scan3A_123 = arith.constant 4 : i32
        %max3A = arith.constant 1.000000e-30 : f32
        %max3A_124 = vector.broadcast %max3A : f32 to vector<16xf32>
        %max3A_125 = arith.maximumf %scan3A_122, %max3A_124 : vector<16xf32>
        %bitcast_convert_type3A = tpu.bitcast %max3A_125 : vector<16xf32> -> vector<16xi32>
        %shift_right_logical3A = arith.constant 1 : i32
        %shift_right_logical3A_126 = vector.broadcast %shift_right_logical3A : i32 to vector<16xi32>
        %shift_right_logical3A_127 = arith.shrui %bitcast_convert_type3A, %shift_right_logical3A_126 : vector<16xi32>
        %sub3A = arith.constant 1597463007 : i32
        %sub3A_128 = vector.broadcast %sub3A : i32 to vector<16xi32>
        %sub3A_129 = arith.subi %sub3A_128, %shift_right_logical3A_127 : vector<16xi32>
        %bitcast_convert_type3A_130 = tpu.bitcast %sub3A_129 : vector<16xi32> -> vector<16xf32>
        %mul3A_131 = arith.constant 5.000000e-01 : f32
        %mul3A_132 = vector.broadcast %mul3A_131 : f32 to vector<16xf32>
        %mul3A_133 = arith.mulf %mul3A_132, %max3A_125 : vector<16xf32>
        %mul3A_134 = arith.mulf %mul3A_133, %bitcast_convert_type3A_130 : vector<16xf32>
        %mul3A_135 = arith.mulf %mul3A_134, %bitcast_convert_type3A_130 : vector<16xf32>
        %sub3A_136 = arith.constant 1.500000e+00 : f32
        %sub3A_137 = vector.broadcast %sub3A_136 : f32 to vector<16xf32>
        %sub3A_138 = arith.subf %sub3A_137, %mul3A_135 : vector<16xf32>
        %mul3A_139 = arith.mulf %bitcast_convert_type3A_130, %sub3A_138 : vector<16xf32>
        %mul3A_140 = arith.mulf %mul3A_133, %mul3A_139 : vector<16xf32>
        %mul3A_141 = arith.mulf %mul3A_140, %mul3A_139 : vector<16xf32>
        %sub3A_142 = arith.constant 1.500000e+00 : f32
        %sub3A_143 = vector.broadcast %sub3A_142 : f32 to vector<16xf32>
        %sub3A_144 = arith.subf %sub3A_143, %mul3A_141 : vector<16xf32>
        %mul3A_145 = arith.mulf %mul3A_139, %sub3A_144 : vector<16xf32>
        %mul3A_146 = arith.mulf %mul3A_133, %mul3A_145 : vector<16xf32>
        %mul3A_147 = arith.mulf %mul3A_146, %mul3A_145 : vector<16xf32>
        %sub3A_148 = arith.constant 1.500000e+00 : f32
        %sub3A_149 = vector.broadcast %sub3A_148 : f32 to vector<16xf32>
        %sub3A_150 = arith.subf %sub3A_149, %mul3A_147 : vector<16xf32>
        %mul3A_151 = arith.mulf %mul3A_145, %sub3A_150 : vector<16xf32>
        %mul3A_152 = arith.mulf %max3A_125, %mul3A_151 : vector<16xf32>
        %neg3A = arith.constant 0.000000e+00 : f32
        %neg3A_153 = vector.broadcast %neg3A : f32 to vector<16xf32>
        %neg3A_154 = arith.subf %neg3A_153, %mul3A_152 : vector<16xf32>
        %mul3A_155 = arith.constant 64 : i32
        %mul3A_156 = arith.muli %mul3A_52, %mul3A_155 : i32
        %add3A_157 = arith.addi %mul3A_156, %mul3A_116 : i32
        %swap3A = arith.index_cast %add3A_157 : i32 to index
        %swap3A_158 = tpu.vector_load %arg17[%swap3A] {strides = array<i32>} : memref<512xf32, #tpu.memory_space<vmem>>, vector<16xf32>,
        tpu.vector_store %arg17[%swap3A], %neg3A_154 {strides = array<i32>} : memref<512xf32, #tpu.memory_space<vmem>>, vector<16xf32>,
        %scan3A_159 = arith.constant 0 : i32
        scf.yield %scan3A_159 : i32
      }
      %scan3A_77 = arith.constant 4 : i32
      %lt3A = arith.constant 3 : i32
      %lt3A_78 = arith.cmpi slt, %scan3A_49, %lt3A : i32
      %convert_element_type3A = arith.extui %lt3A_78 : i1 to i32
      %cond3A = arith.constant 0 : i32
      %cond3A_79 = arith.cmpi ne, %convert_element_type3A, %cond3A : i32
      scf.if %cond3A_79 {
        %add3A_113 = arith.constant 2 : i32
        %add3A_114 = arith.addi %mul3A_52, %add3A_113 : i32
        %mul3A_115 = arith.constant 64 : i32
        %mul3A_116 = arith.muli %add3A_114, %mul3A_115 : i32
        %dma_start3A_117 = tpu.memref_slice %arg8[%mul3A_116] : memref<512xi32, #tpu.memory_space<vmem>> -> memref<64xi32, #tpu.memory_space<vmem>>
        %dma_start3A_118 = arith.constant 0 : i32
        %dma_start3A_119 = arith.constant 0 : i32
        %dma_start3A_120 = tpu.memref_slice %arg2[%dma_start3A_118, %dma_start3A_119] : memref<100000x128xf32, #tpu.memory_space<hbm>> -> memref<100000x128xf32, #tpu.memory_space<hbm>>
        tpu.enqueue_indirect_dma source(%dma_start3A_120 : memref<100000x128xf32, #tpu.memory_space<hbm>>) target(%arg11 : memref<64x128xf32, #tpu.memory_space<vmem>>) offsets(%dma_start3A_117 : memref<64xi32, #tpu.memory_space<vmem>>) semaphore(%arg18 : memref<!tpu.dma_semaphore, #tpu.memory_space<semaphore_mem>>)
        %dma_start3A_121 = tpu.memref_slice %arg9[%mul3A_116] : memref<512xi32, #tpu.memory_space<vmem>> -> memref<64xi32, #tpu.memory_space<vmem>>
        %dma_start3A_122 = arith.constant 0 : i32
        %dma_start3A_123 = arith.constant 0 : i32
        %dma_start3A_124 = tpu.memref_slice %arg3[%dma_start3A_122, %dma_start3A_123] : memref<1000x128xf32, #tpu.memory_space<hbm>> -> memref<1000x128xf32, #tpu.memory_space<hbm>>
        tpu.enqueue_indirect_dma source(%dma_start3A_124 : memref<1000x128xf32, #tpu.memory_space<hbm>>) target(%arg13 : memref<64x128xf32, #tpu.memory_space<vmem>>) offsets(%dma_start3A_121 : memref<64xi32, #tpu.memory_space<vmem>>) semaphore(%arg18 : memref<!tpu.dma_semaphore, #tpu.memory_space<semaphore_mem>>)
        %dma_start3A_125 = tpu.memref_slice %arg10[%mul3A_116] : memref<512xi32, #tpu.memory_space<vmem>> -> memref<64xi32, #tpu.memory_space<vmem>>
        %dma_start3A_126 = arith.constant 0 : i32
        %dma_start3A_127 = arith.constant 0 : i32
        %dma_start3A_128 = tpu.memref_slice %arg2[%dma_start3A_126, %dma_start3A_127] : memref<100000x128xf32, #tpu.memory_space<hbm>> -> memref<100000x128xf32, #tpu.memory_space<hbm>>
        tpu.enqueue_indirect_dma source(%dma_start3A_128 : memref<100000x128xf32, #tpu.memory_space<hbm>>) target(%arg15 : memref<64x128xf32, #tpu.memory_space<vmem>>) offsets(%dma_start3A_125 : memref<64xi32, #tpu.memory_space<vmem>>) semaphore(%arg18 : memref<!tpu.dma_semaphore, #tpu.memory_space<semaphore_mem>>)
      } else {
      }
      %dma_wait3A_80 = arith.constant 0 : i32
      %dma_wait3A_81 = arith.constant 0 : i32
      %dma_wait3A_82 = tpu.memref_slice %arg2[%dma_wait3A_80, %dma_wait3A_81] : memref<100000x128xf32, #tpu.memory_space<hbm>> -> memref<64x128xf32, #tpu.memory_space<hbm>>
      %dma_wait3A_83 = arith.constant 0 : i32
      %dma_wait3A_84 = arith.constant 0 : i32
      %dma_wait3A_85 = tpu.memref_slice %arg2[%dma_wait3A_83, %dma_wait3A_84] : memref<100000x128xf32, #tpu.memory_space<hbm>> -> memref<64x128xf32, #tpu.memory_space<hbm>>
      tpu.wait_dma2 semaphore(%arg19 : memref<!tpu.dma_semaphore, #tpu.memory_space<semaphore_mem>>) src(%dma_wait3A_85 : memref<64x128xf32, #tpu.memory_space<hbm>>) dst(%arg12 : memref<64x128xf32, #tpu.memory_space<vmem>>)
      %dma_wait3A_86 = arith.constant 0 : i32
      %dma_wait3A_87 = arith.constant 0 : i32
      %dma_wait3A_88 = tpu.memref_slice %arg2[%dma_wait3A_86, %dma_wait3A_87] : memref<100000x128xf32, #tpu.memory_space<hbm>> -> memref<64x128xf32, #tpu.memory_space<hbm>>
      %dma_wait3A_89 = arith.constant 0 : i32
      %dma_wait3A_90 = arith.constant 0 : i32
      %dma_wait3A_91 = tpu.memref_slice %arg2[%dma_wait3A_89, %dma_wait3A_90] : memref<100000x128xf32, #tpu.memory_space<hbm>> -> memref<64x128xf32, #tpu.memory_space<hbm>>
      tpu.wait_dma2 semaphore(%arg19 : memref<!tpu.dma_semaphore, #tpu.memory_space<semaphore_mem>>) src(%dma_wait3A_91 : memref<64x128xf32, #tpu.memory_space<hbm>>) dst(%arg14 : memref<64x128xf32, #tpu.memory_space<vmem>>)
      %dma_wait3A_92 = arith.constant 0 : i32
      %dma_wait3A_93 = arith.constant 0 : i32
      %dma_wait3A_94 = tpu.memref_slice %arg2[%dma_wait3A_92, %dma_wait3A_93] : memref<100000x128xf32, #tpu.memory_space<hbm>> -> memref<64x128xf32, #tpu.memory_space<hbm>>
      %dma_wait3A_95 = arith.constant 0 : i32
      %dma_wait3A_96 = arith.constant 0 : i32
      %dma_wait3A_97 = tpu.memref_slice %arg2[%dma_wait3A_95, %dma_wait3A_96] : memref<100000x128xf32, #tpu.memory_space<hbm>> -> memref<64x128xf32, #tpu.memory_space<hbm>>
      tpu.wait_dma2 semaphore(%arg19 : memref<!tpu.dma_semaphore, #tpu.memory_space<semaphore_mem>>) src(%dma_wait3A_97 : memref<64x128xf32, #tpu.memory_space<hbm>>) dst(%arg16 : memref<64x128xf32, #tpu.memory_space<vmem>>)
      %add3A_98 = arith.constant 1 : i32
      %add3A_99 = arith.addi %mul3A_52, %add3A_98 : i32
      %scan3A_100 = arith.constant 0 : i32
      %scan3A_101 = arith.constant 0 : i32
      %scan3A_102 = arith.constant 4 : i32
      %scan3A_103 = arith.addi %scan3A_101, %scan3A_102 : i32
      %scan3A_104 = arith.constant 1 : i32
      %scan3A_105 = scf.for %scan3A_113 = %scan3A_101 to %scan3A_103 step %scan3A_104 iter_args(%scan3A_114 = %scan3A_100) -> (i32)  : i32 {
        %mul3A_115 = arith.constant 16 : i32
        %mul3A_116 = arith.muli %scan3A_113, %mul3A_115 : i32
        %broadcast_in_dim3A = arith.constant 0.000000e+00 : f32
        %broadcast_in_dim3A_117 = vector.broadcast %broadcast_in_dim3A : f32 to vector<16xf32>
        %scan3A_118 = arith.constant 0 : i32
        %scan3A_119 = arith.constant 4 : i32
        %scan3A_120 = arith.addi %scan3A_118, %scan3A_119 : i32
        %scan3A_121 = arith.constant 1 : i32
        %scan3A_122 = scf.for %scan3A_160 = %scan3A_118 to %scan3A_120 step %scan3A_121 iter_args(%scan3A_161 = %broadcast_in_dim3A_117) -> (vector<16xf32>)  : i32 {
          %mul3A_162 = arith.constant 4 : i32
          %mul3A_163 = arith.muli %scan3A_160, %mul3A_162 : i32
          %add3A_164 = arith.addi %mul3A_116, %mul3A_163 : i32
          %add3A_165 = arith.constant 0 : i32
          %add3A_166 = arith.addi %add3A_164, %add3A_165 : i32
          %get3A = arith.index_cast %add3A_166 : i32 to index
          %get3A_167 = arith.constant 0 : index
          %get3A_168 = tpu.vector_load %arg12[%get3A, %get3A_167] {strides = array<i32>} : memref<64x128xf32, #tpu.memory_space<vmem>>, vector<16xf32>,
          %get3A_169 = arith.index_cast %add3A_166 : i32 to index
          %get3A_170 = arith.constant 0 : index
          %get3A_171 = tpu.vector_load %arg14[%get3A_169, %get3A_170] {strides = array<i32>} : memref<64x128xf32, #tpu.memory_space<vmem>>, vector<16xf32>,
          %get3A_172 = arith.index_cast %add3A_166 : i32 to index
          %get3A_173 = arith.constant 0 : index
          %get3A_174 = tpu.vector_load %arg16[%get3A_172, %get3A_173] {strides = array<i32>} : memref<64x128xf32, #tpu.memory_space<vmem>>, vector<16xf32>,
          %add3A_175 = arith.addf %get3A_168, %get3A_171 : vector<16xf32>
          %sub3A_176 = arith.subf %add3A_175, %get3A_174 : vector<16xf32>
          %mul3A_177 = arith.mulf %sub3A_176, %sub3A_176 : vector<16xf32>
          %get3A_178 = arith.index_cast %add3A_166 : i32 to index
          %get3A_179 = arith.constant 16 : index
          %get3A_180 = tpu.vector_load %arg12[%get3A_178, %get3A_179] {strides = array<i32>} : memref<64x128xf32, #tpu.memory_space<vmem>>, vector<16xf32>,
          %get3A_181 = arith.index_cast %add3A_166 : i32 to index
          %get3A_182 = arith.constant 16 : index
          %get3A_183 = tpu.vector_load %arg14[%get3A_181, %get3A_182] {strides = array<i32>} : memref<64x128xf32, #tpu.memory_space<vmem>>, vector<16xf32>,
          %get3A_184 = arith.index_cast %add3A_166 : i32 to index
          %get3A_185 = arith.constant 16 : index
          %get3A_186 = tpu.vector_load %arg16[%get3A_184, %get3A_185] {strides = array<i32>} : memref<64x128xf32, #tpu.memory_space<vmem>>, vector<16xf32>,
          %add3A_187 = arith.addf %get3A_180, %get3A_183 : vector<16xf32>
          %sub3A_188 = arith.subf %add3A_187, %get3A_186 : vector<16xf32>
          %mul3A_189 = arith.mulf %sub3A_188, %sub3A_188 : vector<16xf32>
          %add3A_190 = arith.addf %mul3A_177, %mul3A_189 : vector<16xf32>
          %get3A_191 = arith.index_cast %add3A_166 : i32 to index
          %get3A_192 = arith.constant 32 : index
          %get3A_193 = tpu.vector_load %arg12[%get3A_191, %get3A_192] {strides = array<i32>} : memref<64x128xf32, #tpu.memory_space<vmem>>, vector<16xf32>,
          %get3A_194 = arith.index_cast %add3A_166 : i32 to index
          %get3A_195 = arith.constant 32 : index
          %get3A_196 = tpu.vector_load %arg14[%get3A_194, %get3A_195] {strides = array<i32>} : memref<64x128xf32, #tpu.memory_space<vmem>>, vector<16xf32>,
          %get3A_197 = arith.index_cast %add3A_166 : i32 to index
          %get3A_198 = arith.constant 32 : index
          %get3A_199 = tpu.vector_load %arg16[%get3A_197, %get3A_198] {strides = array<i32>} : memref<64x128xf32, #tpu.memory_space<vmem>>, vector<16xf32>,
          %add3A_200 = arith.addf %get3A_193, %get3A_196 : vector<16xf32>
          %sub3A_201 = arith.subf %add3A_200, %get3A_199 : vector<16xf32>
          %mul3A_202 = arith.mulf %sub3A_201, %sub3A_201 : vector<16xf32>
          %add3A_203 = arith.addf %add3A_190, %mul3A_202 : vector<16xf32>
          %get3A_204 = arith.index_cast %add3A_166 : i32 to index
          %get3A_205 = arith.constant 48 : index
          %get3A_206 = tpu.vector_load %arg12[%get3A_204, %get3A_205] {strides = array<i32>} : memref<64x128xf32, #tpu.memory_space<vmem>>, vector<16xf32>,
          %get3A_207 = arith.index_cast %add3A_166 : i32 to index
          %get3A_208 = arith.constant 48 : index
          %get3A_209 = tpu.vector_load %arg14[%get3A_207, %get3A_208] {strides = array<i32>} : memref<64x128xf32, #tpu.memory_space<vmem>>, vector<16xf32>,
          %get3A_210 = arith.index_cast %add3A_166 : i32 to index
          %get3A_211 = arith.constant 48 : index
          %get3A_212 = tpu.vector_load %arg16[%get3A_210, %get3A_211] {strides = array<i32>} : memref<64x128xf32, #tpu.memory_space<vmem>>, vector<16xf32>,
          %add3A_213 = arith.addf %get3A_206, %get3A_209 : vector<16xf32>
          %sub3A_214 = arith.subf %add3A_213, %get3A_212 : vector<16xf32>
          %mul3A_215 = arith.mulf %sub3A_214, %sub3A_214 : vector<16xf32>
          %add3A_216 = arith.addf %add3A_203, %mul3A_215 : vector<16xf32>
          %get3A_217 = arith.index_cast %add3A_166 : i32 to index
          %get3A_218 = arith.constant 64 : index
          %get3A_219 = tpu.vector_load %arg12[%get3A_217, %get3A_218] {strides = array<i32>} : memref<64x128xf32, #tpu.memory_space<vmem>>, vector<16xf32>,
          %get3A_220 = arith.index_cast %add3A_166 : i32 to index
          %get3A_221 = arith.constant 64 : index
          %get3A_222 = tpu.vector_load %arg14[%get3A_220, %get3A_221] {strides = array<i32>} : memref<64x128xf32, #tpu.memory_space<vmem>>, vector<16xf32>,
          %get3A_223 = arith.index_cast %add3A_166 : i32 to index
          %get3A_224 = arith.constant 64 : index
          %get3A_225 = tpu.vector_load %arg16[%get3A_223, %get3A_224] {strides = array<i32>} : memref<64x128xf32, #tpu.memory_space<vmem>>, vector<16xf32>,
          %add3A_226 = arith.addf %get3A_219, %get3A_222 : vector<16xf32>
          %sub3A_227 = arith.subf %add3A_226, %get3A_225 : vector<16xf32>
          %mul3A_228 = arith.mulf %sub3A_227, %sub3A_227 : vector<16xf32>
          %add3A_229 = arith.addf %add3A_216, %mul3A_228 : vector<16xf32>
          %get3A_230 = arith.index_cast %add3A_166 : i32 to index
          %get3A_231 = arith.constant 80 : index
          %get3A_232 = tpu.vector_load %arg12[%get3A_230, %get3A_231] {strides = array<i32>} : memref<64x128xf32, #tpu.memory_space<vmem>>, vector<16xf32>,
          %get3A_233 = arith.index_cast %add3A_166 : i32 to index
          %get3A_234 = arith.constant 80 : index
          %get3A_235 = tpu.vector_load %arg14[%get3A_233, %get3A_234] {strides = array<i32>} : memref<64x128xf32, #tpu.memory_space<vmem>>, vector<16xf32>,
          %get3A_236 = arith.index_cast %add3A_166 : i32 to index
          %get3A_237 = arith.constant 80 : index
          %get3A_238 = tpu.vector_load %arg16[%get3A_236, %get3A_237] {strides = array<i32>} : memref<64x128xf32, #tpu.memory_space<vmem>>, vector<16xf32>,
          %add3A_239 = arith.addf %get3A_232, %get3A_235 : vector<16xf32>
          %sub3A_240 = arith.subf %add3A_239, %get3A_238 : vector<16xf32>
          %mul3A_241 = arith.mulf %sub3A_240, %sub3A_240 : vector<16xf32>
          %add3A_242 = arith.addf %add3A_229, %mul3A_241 : vector<16xf32>
          %get3A_243 = arith.index_cast %add3A_166 : i32 to index
          %get3A_244 = arith.constant 96 : index
          %get3A_245 = tpu.vector_load %arg12[%get3A_243, %get3A_244] {strides = array<i32>} : memref<64x128xf32, #tpu.memory_space<vmem>>, vector<16xf32>,
          %get3A_246 = arith.index_cast %add3A_166 : i32 to index
          %get3A_247 = arith.constant 96 : index
          %get3A_248 = tpu.vector_load %arg14[%get3A_246, %get3A_247] {strides = array<i32>} : memref<64x128xf32, #tpu.memory_space<vmem>>, vector<16xf32>,
          %get3A_249 = arith.index_cast %add3A_166 : i32 to index
          %get3A_250 = arith.constant 96 : index
          %get3A_251 = tpu.vector_load %arg16[%get3A_249, %get3A_250] {strides = array<i32>} : memref<64x128xf32, #tpu.memory_space<vmem>>, vector<16xf32>,
          %add3A_252 = arith.addf %get3A_245, %get3A_248 : vector<16xf32>
          %sub3A_253 = arith.subf %add3A_252, %get3A_251 : vector<16xf32>
          %mul3A_254 = arith.mulf %sub3A_253, %sub3A_253 : vector<16xf32>
          %add3A_255 = arith.addf %add3A_242, %mul3A_254 : vector<16xf32>
          %get3A_256 = arith.index_cast %add3A_166 : i32 to index
          %get3A_257 = arith.constant 112 : index
          %get3A_258 = tpu.vector_load %arg12[%get3A_256, %get3A_257] {strides = array<i32>} : memref<64x128xf32, #tpu.memory_space<vmem>>, vector<16xf32>,
          %get3A_259 = arith.index_cast %add3A_166 : i32 to index
          %get3A_260 = arith.constant 112 : index
          %get3A_261 = tpu.vector_load %arg14[%get3A_259, %get3A_260] {strides = array<i32>} : memref<64x128xf32, #tpu.memory_space<vmem>>, vector<16xf32>,
          %get3A_262 = arith.index_cast %add3A_166 : i32 to index
          %get3A_263 = arith.constant 112 : index
          %get3A_264 = tpu.vector_load %arg16[%get3A_262, %get3A_263] {strides = array<i32>} : memref<64x128xf32, #tpu.memory_space<vmem>>, vector<16xf32>,
          %add3A_265 = arith.addf %get3A_258, %get3A_261 : vector<16xf32>
          %sub3A_266 = arith.subf %add3A_265, %get3A_264 : vector<16xf32>
          %mul3A_267 = arith.mulf %sub3A_266, %sub3A_266 : vector<16xf32>
          %add3A_268 = arith.addf %add3A_255, %mul3A_267 : vector<16xf32>
          %mul3A_269 = arith.constant 4 : i32
          %mul3A_270 = arith.muli %scan3A_160, %mul3A_269 : i32
          %add3A_271 = arith.constant 0 : i32
          %add3A_272 = arith.addi %mul3A_270, %add3A_271 : i32
          %eq3A = vector.broadcast %add3A_272 : i32 to vector<16xi32>
          %eq3A_273 = arith.cmpi eq, %iota3A, %eq3A : vector<16xi32>
          %reduce_sum3A = arith.constant true
          %reduce_sum3A_274 = vector.broadcast %reduce_sum3A : i1 to vector<16xi1>
          %reduce_sum3A_275 = tpu.scan <sum>, %add3A_268 masked %reduce_sum3A_274 : vector<16xf32>, vector<16xi1> -> vector<16xf32>
          %reduce_sum3A_276 = vector.extract %reduce_sum3A_275[15] : f32 from vector<16xf32>
          %broadcast_in_dim3A_277 = vector.broadcast %reduce_sum3A_276 : f32 to vector<16xf32>
          %select_n3A = arith.select %eq3A_273, %broadcast_in_dim3A_277, %scan3A_161 : vector<16xi1>, vector<16xf32>
          %mul3A_278 = arith.constant 4 : i32
          %mul3A_279 = arith.muli %scan3A_160, %mul3A_278 : i32
          %add3A_280 = arith.addi %mul3A_116, %mul3A_279 : i32
          %add3A_281 = arith.constant 1 : i32
          %add3A_282 = arith.addi %add3A_280, %add3A_281 : i32
          %get3A_283 = arith.index_cast %add3A_282 : i32 to index
          %get3A_284 = arith.constant 0 : index
          %get3A_285 = tpu.vector_load %arg12[%get3A_283, %get3A_284] {strides = array<i32>} : memref<64x128xf32, #tpu.memory_space<vmem>>, vector<16xf32>,
          %get3A_286 = arith.index_cast %add3A_282 : i32 to index
          %get3A_287 = arith.constant 0 : index
          %get3A_288 = tpu.vector_load %arg14[%get3A_286, %get3A_287] {strides = array<i32>} : memref<64x128xf32, #tpu.memory_space<vmem>>, vector<16xf32>,
          %get3A_289 = arith.index_cast %add3A_282 : i32 to index
          %get3A_290 = arith.constant 0 : index
          %get3A_291 = tpu.vector_load %arg16[%get3A_289, %get3A_290] {strides = array<i32>} : memref<64x128xf32, #tpu.memory_space<vmem>>, vector<16xf32>,
          %add3A_292 = arith.addf %get3A_285, %get3A_288 : vector<16xf32>
          %sub3A_293 = arith.subf %add3A_292, %get3A_291 : vector<16xf32>
          %mul3A_294 = arith.mulf %sub3A_293, %sub3A_293 : vector<16xf32>
          %get3A_295 = arith.index_cast %add3A_282 : i32 to index
          %get3A_296 = arith.constant 16 : index
          %get3A_297 = tpu.vector_load %arg12[%get3A_295, %get3A_296] {strides = array<i32>} : memref<64x128xf32, #tpu.memory_space<vmem>>, vector<16xf32>,
          %get3A_298 = arith.index_cast %add3A_282 : i32 to index
          %get3A_299 = arith.constant 16 : index
          %get3A_300 = tpu.vector_load %arg14[%get3A_298, %get3A_299] {strides = array<i32>} : memref<64x128xf32, #tpu.memory_space<vmem>>, vector<16xf32>,
          %get3A_301 = arith.index_cast %add3A_282 : i32 to index
          %get3A_302 = arith.constant 16 : index
          %get3A_303 = tpu.vector_load %arg16[%get3A_301, %get3A_302] {strides = array<i32>} : memref<64x128xf32, #tpu.memory_space<vmem>>, vector<16xf32>,
          %add3A_304 = arith.addf %get3A_297, %get3A_300 : vector<16xf32>
          %sub3A_305 = arith.subf %add3A_304, %get3A_303 : vector<16xf32>
          %mul3A_306 = arith.mulf %sub3A_305, %sub3A_305 : vector<16xf32>
          %add3A_307 = arith.addf %mul3A_294, %mul3A_306 : vector<16xf32>
          %get3A_308 = arith.index_cast %add3A_282 : i32 to index
          %get3A_309 = arith.constant 32 : index
          %get3A_310 = tpu.vector_load %arg12[%get3A_308, %get3A_309] {strides = array<i32>} : memref<64x128xf32, #tpu.memory_space<vmem>>, vector<16xf32>,
          %get3A_311 = arith.index_cast %add3A_282 : i32 to index
          %get3A_312 = arith.constant 32 : index
          %get3A_313 = tpu.vector_load %arg14[%get3A_311, %get3A_312] {strides = array<i32>} : memref<64x128xf32, #tpu.memory_space<vmem>>, vector<16xf32>,
          %get3A_314 = arith.index_cast %add3A_282 : i32 to index
          %get3A_315 = arith.constant 32 : index
          %get3A_316 = tpu.vector_load %arg16[%get3A_314, %get3A_315] {strides = array<i32>} : memref<64x128xf32, #tpu.memory_space<vmem>>, vector<16xf32>,
          %add3A_317 = arith.addf %get3A_310, %get3A_313 : vector<16xf32>
          %sub3A_318 = arith.subf %add3A_317, %get3A_316 : vector<16xf32>
          %mul3A_319 = arith.mulf %sub3A_318, %sub3A_318 : vector<16xf32>
          %add3A_320 = arith.addf %add3A_307, %mul3A_319 : vector<16xf32>
          %get3A_321 = arith.index_cast %add3A_282 : i32 to index
          %get3A_322 = arith.constant 48 : index
          %get3A_323 = tpu.vector_load %arg12[%get3A_321, %get3A_322] {strides = array<i32>} : memref<64x128xf32, #tpu.memory_space<vmem>>, vector<16xf32>,
          %get3A_324 = arith.index_cast %add3A_282 : i32 to index
          %get3A_325 = arith.constant 48 : index
          %get3A_326 = tpu.vector_load %arg14[%get3A_324, %get3A_325] {strides = array<i32>} : memref<64x128xf32, #tpu.memory_space<vmem>>, vector<16xf32>,
          %get3A_327 = arith.index_cast %add3A_282 : i32 to index
          %get3A_328 = arith.constant 48 : index
          %get3A_329 = tpu.vector_load %arg16[%get3A_327, %get3A_328] {strides = array<i32>} : memref<64x128xf32, #tpu.memory_space<vmem>>, vector<16xf32>,
          %add3A_330 = arith.addf %get3A_323, %get3A_326 : vector<16xf32>
          %sub3A_331 = arith.subf %add3A_330, %get3A_329 : vector<16xf32>
          %mul3A_332 = arith.mulf %sub3A_331, %sub3A_331 : vector<16xf32>
          %add3A_333 = arith.addf %add3A_320, %mul3A_332 : vector<16xf32>
          %get3A_334 = arith.index_cast %add3A_282 : i32 to index
          %get3A_335 = arith.constant 64 : index
          %get3A_336 = tpu.vector_load %arg12[%get3A_334, %get3A_335] {strides = array<i32>} : memref<64x128xf32, #tpu.memory_space<vmem>>, vector<16xf32>,
          %get3A_337 = arith.index_cast %add3A_282 : i32 to index
          %get3A_338 = arith.constant 64 : index
          %get3A_339 = tpu.vector_load %arg14[%get3A_337, %get3A_338] {strides = array<i32>} : memref<64x128xf32, #tpu.memory_space<vmem>>, vector<16xf32>,
          %get3A_340 = arith.index_cast %add3A_282 : i32 to index
          %get3A_341 = arith.constant 64 : index
          %get3A_342 = tpu.vector_load %arg16[%get3A_340, %get3A_341] {strides = array<i32>} : memref<64x128xf32, #tpu.memory_space<vmem>>, vector<16xf32>,
          %add3A_343 = arith.addf %get3A_336, %get3A_339 : vector<16xf32>
          %sub3A_344 = arith.subf %add3A_343, %get3A_342 : vector<16xf32>
          %mul3A_345 = arith.mulf %sub3A_344, %sub3A_344 : vector<16xf32>
          %add3A_346 = arith.addf %add3A_333, %mul3A_345 : vector<16xf32>
          %get3A_347 = arith.index_cast %add3A_282 : i32 to index
          %get3A_348 = arith.constant 80 : index
          %get3A_349 = tpu.vector_load %arg12[%get3A_347, %get3A_348] {strides = array<i32>} : memref<64x128xf32, #tpu.memory_space<vmem>>, vector<16xf32>,
          %get3A_350 = arith.index_cast %add3A_282 : i32 to index
          %get3A_351 = arith.constant 80 : index
          %get3A_352 = tpu.vector_load %arg14[%get3A_350, %get3A_351] {strides = array<i32>} : memref<64x128xf32, #tpu.memory_space<vmem>>, vector<16xf32>,
          %get3A_353 = arith.index_cast %add3A_282 : i32 to index
          %get3A_354 = arith.constant 80 : index
          %get3A_355 = tpu.vector_load %arg16[%get3A_353, %get3A_354] {strides = array<i32>} : memref<64x128xf32, #tpu.memory_space<vmem>>, vector<16xf32>,
          %add3A_356 = arith.addf %get3A_349, %get3A_352 : vector<16xf32>
          %sub3A_357 = arith.subf %add3A_356, %get3A_355 : vector<16xf32>
          %mul3A_358 = arith.mulf %sub3A_357, %sub3A_357 : vector<16xf32>
          %add3A_359 = arith.addf %add3A_346, %mul3A_358 : vector<16xf32>
          %get3A_360 = arith.index_cast %add3A_282 : i32 to index
          %get3A_361 = arith.constant 96 : index
          %get3A_362 = tpu.vector_load %arg12[%get3A_360, %get3A_361] {strides = array<i32>} : memref<64x128xf32, #tpu.memory_space<vmem>>, vector<16xf32>,
          %get3A_363 = arith.index_cast %add3A_282 : i32 to index
          %get3A_364 = arith.constant 96 : index
          %get3A_365 = tpu.vector_load %arg14[%get3A_363, %get3A_364] {strides = array<i32>} : memref<64x128xf32, #tpu.memory_space<vmem>>, vector<16xf32>,
          %get3A_366 = arith.index_cast %add3A_282 : i32 to index
          %get3A_367 = arith.constant 96 : index
          %get3A_368 = tpu.vector_load %arg16[%get3A_366, %get3A_367] {strides = array<i32>} : memref<64x128xf32, #tpu.memory_space<vmem>>, vector<16xf32>,
          %add3A_369 = arith.addf %get3A_362, %get3A_365 : vector<16xf32>
          %sub3A_370 = arith.subf %add3A_369, %get3A_368 : vector<16xf32>
          %mul3A_371 = arith.mulf %sub3A_370, %sub3A_370 : vector<16xf32>
          %add3A_372 = arith.addf %add3A_359, %mul3A_371 : vector<16xf32>
          %get3A_373 = arith.index_cast %add3A_282 : i32 to index
          %get3A_374 = arith.constant 112 : index
          %get3A_375 = tpu.vector_load %arg12[%get3A_373, %get3A_374] {strides = array<i32>} : memref<64x128xf32, #tpu.memory_space<vmem>>, vector<16xf32>,
          %get3A_376 = arith.index_cast %add3A_282 : i32 to index
          %get3A_377 = arith.constant 112 : index
          %get3A_378 = tpu.vector_load %arg14[%get3A_376, %get3A_377] {strides = array<i32>} : memref<64x128xf32, #tpu.memory_space<vmem>>, vector<16xf32>,
          %get3A_379 = arith.index_cast %add3A_282 : i32 to index
          %get3A_380 = arith.constant 112 : index
          %get3A_381 = tpu.vector_load %arg16[%get3A_379, %get3A_380] {strides = array<i32>} : memref<64x128xf32, #tpu.memory_space<vmem>>, vector<16xf32>,
          %add3A_382 = arith.addf %get3A_375, %get3A_378 : vector<16xf32>
          %sub3A_383 = arith.subf %add3A_382, %get3A_381 : vector<16xf32>
          %mul3A_384 = arith.mulf %sub3A_383, %sub3A_383 : vector<16xf32>
          %add3A_385 = arith.addf %add3A_372, %mul3A_384 : vector<16xf32>
          %mul3A_386 = arith.constant 4 : i32
          %mul3A_387 = arith.muli %scan3A_160, %mul3A_386 : i32
          %add3A_388 = arith.constant 1 : i32
          %add3A_389 = arith.addi %mul3A_387, %add3A_388 : i32
          %eq3A_390 = vector.broadcast %add3A_389 : i32 to vector<16xi32>
          %eq3A_391 = arith.cmpi eq, %iota3A, %eq3A_390 : vector<16xi32>
          %reduce_sum3A_392 = arith.constant true
          %reduce_sum3A_393 = vector.broadcast %reduce_sum3A_392 : i1 to vector<16xi1>
          %reduce_sum3A_394 = tpu.scan <sum>, %add3A_385 masked %reduce_sum3A_393 : vector<16xf32>, vector<16xi1> -> vector<16xf32>
          %reduce_sum3A_395 = vector.extract %reduce_sum3A_394[15] : f32 from vector<16xf32>
          %broadcast_in_dim3A_396 = vector.broadcast %reduce_sum3A_395 : f32 to vector<16xf32>
          %select_n3A_397 = arith.select %eq3A_391, %broadcast_in_dim3A_396, %select_n3A : vector<16xi1>, vector<16xf32>
          %mul3A_398 = arith.constant 4 : i32
          %mul3A_399 = arith.muli %scan3A_160, %mul3A_398 : i32
          %add3A_400 = arith.addi %mul3A_116, %mul3A_399 : i32
          %add3A_401 = arith.constant 2 : i32
          %add3A_402 = arith.addi %add3A_400, %add3A_401 : i32
          %get3A_403 = arith.index_cast %add3A_402 : i32 to index
          %get3A_404 = arith.constant 0 : index
          %get3A_405 = tpu.vector_load %arg12[%get3A_403, %get3A_404] {strides = array<i32>} : memref<64x128xf32, #tpu.memory_space<vmem>>, vector<16xf32>,
          %get3A_406 = arith.index_cast %add3A_402 : i32 to index
          %get3A_407 = arith.constant 0 : index
          %get3A_408 = tpu.vector_load %arg14[%get3A_406, %get3A_407] {strides = array<i32>} : memref<64x128xf32, #tpu.memory_space<vmem>>, vector<16xf32>,
          %get3A_409 = arith.index_cast %add3A_402 : i32 to index
          %get3A_410 = arith.constant 0 : index
          %get3A_411 = tpu.vector_load %arg16[%get3A_409, %get3A_410] {strides = array<i32>} : memref<64x128xf32, #tpu.memory_space<vmem>>, vector<16xf32>,
          %add3A_412 = arith.addf %get3A_405, %get3A_408 : vector<16xf32>
          %sub3A_413 = arith.subf %add3A_412, %get3A_411 : vector<16xf32>
          %mul3A_414 = arith.mulf %sub3A_413, %sub3A_413 : vector<16xf32>
          %get3A_415 = arith.index_cast %add3A_402 : i32 to index
          %get3A_416 = arith.constant 16 : index
          %get3A_417 = tpu.vector_load %arg12[%get3A_415, %get3A_416] {strides = array<i32>} : memref<64x128xf32, #tpu.memory_space<vmem>>, vector<16xf32>,
          %get3A_418 = arith.index_cast %add3A_402 : i32 to index
          %get3A_419 = arith.constant 16 : index
          %get3A_420 = tpu.vector_load %arg14[%get3A_418, %get3A_419] {strides = array<i32>} : memref<64x128xf32, #tpu.memory_space<vmem>>, vector<16xf32>,
          %get3A_421 = arith.index_cast %add3A_402 : i32 to index
          %get3A_422 = arith.constant 16 : index
          %get3A_423 = tpu.vector_load %arg16[%get3A_421, %get3A_422] {strides = array<i32>} : memref<64x128xf32, #tpu.memory_space<vmem>>, vector<16xf32>,
          %add3A_424 = arith.addf %get3A_417, %get3A_420 : vector<16xf32>
          %sub3A_425 = arith.subf %add3A_424, %get3A_423 : vector<16xf32>
          %mul3A_426 = arith.mulf %sub3A_425, %sub3A_425 : vector<16xf32>
          %add3A_427 = arith.addf %mul3A_414, %mul3A_426 : vector<16xf32>
          %get3A_428 = arith.index_cast %add3A_402 : i32 to index
          %get3A_429 = arith.constant 32 : index
          %get3A_430 = tpu.vector_load %arg12[%get3A_428, %get3A_429] {strides = array<i32>} : memref<64x128xf32, #tpu.memory_space<vmem>>, vector<16xf32>,
          %get3A_431 = arith.index_cast %add3A_402 : i32 to index
          %get3A_432 = arith.constant 32 : index
          %get3A_433 = tpu.vector_load %arg14[%get3A_431, %get3A_432] {strides = array<i32>} : memref<64x128xf32, #tpu.memory_space<vmem>>, vector<16xf32>,
          %get3A_434 = arith.index_cast %add3A_402 : i32 to index
          %get3A_435 = arith.constant 32 : index
          %get3A_436 = tpu.vector_load %arg16[%get3A_434, %get3A_435] {strides = array<i32>} : memref<64x128xf32, #tpu.memory_space<vmem>>, vector<16xf32>,
          %add3A_437 = arith.addf %get3A_430, %get3A_433 : vector<16xf32>
          %sub3A_438 = arith.subf %add3A_437, %get3A_436 : vector<16xf32>
          %mul3A_439 = arith.mulf %sub3A_438, %sub3A_438 : vector<16xf32>
          %add3A_440 = arith.addf %add3A_427, %mul3A_439 : vector<16xf32>
          %get3A_441 = arith.index_cast %add3A_402 : i32 to index
          %get3A_442 = arith.constant 48 : index
          %get3A_443 = tpu.vector_load %arg12[%get3A_441, %get3A_442] {strides = array<i32>} : memref<64x128xf32, #tpu.memory_space<vmem>>, vector<16xf32>,
          %get3A_444 = arith.index_cast %add3A_402 : i32 to index
          %get3A_445 = arith.constant 48 : index
          %get3A_446 = tpu.vector_load %arg14[%get3A_444, %get3A_445] {strides = array<i32>} : memref<64x128xf32, #tpu.memory_space<vmem>>, vector<16xf32>,
          %get3A_447 = arith.index_cast %add3A_402 : i32 to index
          %get3A_448 = arith.constant 48 : index
          %get3A_449 = tpu.vector_load %arg16[%get3A_447, %get3A_448] {strides = array<i32>} : memref<64x128xf32, #tpu.memory_space<vmem>>, vector<16xf32>,
          %add3A_450 = arith.addf %get3A_443, %get3A_446 : vector<16xf32>
          %sub3A_451 = arith.subf %add3A_450, %get3A_449 : vector<16xf32>
          %mul3A_452 = arith.mulf %sub3A_451, %sub3A_451 : vector<16xf32>
          %add3A_453 = arith.addf %add3A_440, %mul3A_452 : vector<16xf32>
          %get3A_454 = arith.index_cast %add3A_402 : i32 to index
          %get3A_455 = arith.constant 64 : index
          %get3A_456 = tpu.vector_load %arg12[%get3A_454, %get3A_455] {strides = array<i32>} : memref<64x128xf32, #tpu.memory_space<vmem>>, vector<16xf32>,
          %get3A_457 = arith.index_cast %add3A_402 : i32 to index
          %get3A_458 = arith.constant 64 : index
          %get3A_459 = tpu.vector_load %arg14[%get3A_457, %get3A_458] {strides = array<i32>} : memref<64x128xf32, #tpu.memory_space<vmem>>, vector<16xf32>,
          %get3A_460 = arith.index_cast %add3A_402 : i32 to index
          %get3A_461 = arith.constant 64 : index
          %get3A_462 = tpu.vector_load %arg16[%get3A_460, %get3A_461] {strides = array<i32>} : memref<64x128xf32, #tpu.memory_space<vmem>>, vector<16xf32>,
          %add3A_463 = arith.addf %get3A_456, %get3A_459 : vector<16xf32>
          %sub3A_464 = arith.subf %add3A_463, %get3A_462 : vector<16xf32>
          %mul3A_465 = arith.mulf %sub3A_464, %sub3A_464 : vector<16xf32>
          %add3A_466 = arith.addf %add3A_453, %mul3A_465 : vector<16xf32>
          %get3A_467 = arith.index_cast %add3A_402 : i32 to index
          %get3A_468 = arith.constant 80 : index
          %get3A_469 = tpu.vector_load %arg12[%get3A_467, %get3A_468] {strides = array<i32>} : memref<64x128xf32, #tpu.memory_space<vmem>>, vector<16xf32>,
          %get3A_470 = arith.index_cast %add3A_402 : i32 to index
          %get3A_471 = arith.constant 80 : index
          %get3A_472 = tpu.vector_load %arg14[%get3A_470, %get3A_471] {strides = array<i32>} : memref<64x128xf32, #tpu.memory_space<vmem>>, vector<16xf32>,
          %get3A_473 = arith.index_cast %add3A_402 : i32 to index
          %get3A_474 = arith.constant 80 : index
          %get3A_475 = tpu.vector_load %arg16[%get3A_473, %get3A_474] {strides = array<i32>} : memref<64x128xf32, #tpu.memory_space<vmem>>, vector<16xf32>,
          %add3A_476 = arith.addf %get3A_469, %get3A_472 : vector<16xf32>
          %sub3A_477 = arith.subf %add3A_476, %get3A_475 : vector<16xf32>
          %mul3A_478 = arith.mulf %sub3A_477, %sub3A_477 : vector<16xf32>
          %add3A_479 = arith.addf %add3A_466, %mul3A_478 : vector<16xf32>
          %get3A_480 = arith.index_cast %add3A_402 : i32 to index
          %get3A_481 = arith.constant 96 : index
          %get3A_482 = tpu.vector_load %arg12[%get3A_480, %get3A_481] {strides = array<i32>} : memref<64x128xf32, #tpu.memory_space<vmem>>, vector<16xf32>,
          %get3A_483 = arith.index_cast %add3A_402 : i32 to index
          %get3A_484 = arith.constant 96 : index
          %get3A_485 = tpu.vector_load %arg14[%get3A_483, %get3A_484] {strides = array<i32>} : memref<64x128xf32, #tpu.memory_space<vmem>>, vector<16xf32>,
          %get3A_486 = arith.index_cast %add3A_402 : i32 to index
          %get3A_487 = arith.constant 96 : index
          %get3A_488 = tpu.vector_load %arg16[%get3A_486, %get3A_487] {strides = array<i32>} : memref<64x128xf32, #tpu.memory_space<vmem>>, vector<16xf32>,
          %add3A_489 = arith.addf %get3A_482, %get3A_485 : vector<16xf32>
          %sub3A_490 = arith.subf %add3A_489, %get3A_488 : vector<16xf32>
          %mul3A_491 = arith.mulf %sub3A_490, %sub3A_490 : vector<16xf32>
          %add3A_492 = arith.addf %add3A_479, %mul3A_491 : vector<16xf32>
          %get3A_493 = arith.index_cast %add3A_402 : i32 to index
          %get3A_494 = arith.constant 112 : index
          %get3A_495 = tpu.vector_load %arg12[%get3A_493, %get3A_494] {strides = array<i32>} : memref<64x128xf32, #tpu.memory_space<vmem>>, vector<16xf32>,
          %get3A_496 = arith.index_cast %add3A_402 : i32 to index
          %get3A_497 = arith.constant 112 : index
          %get3A_498 = tpu.vector_load %arg14[%get3A_496, %get3A_497] {strides = array<i32>} : memref<64x128xf32, #tpu.memory_space<vmem>>, vector<16xf32>,
          %get3A_499 = arith.index_cast %add3A_402 : i32 to index
          %get3A_500 = arith.constant 112 : index
          %get3A_501 = tpu.vector_load %arg16[%get3A_499, %get3A_500] {strides = array<i32>} : memref<64x128xf32, #tpu.memory_space<vmem>>, vector<16xf32>,
          %add3A_502 = arith.addf %get3A_495, %get3A_498 : vector<16xf32>
          %sub3A_503 = arith.subf %add3A_502, %get3A_501 : vector<16xf32>
          %mul3A_504 = arith.mulf %sub3A_503, %sub3A_503 : vector<16xf32>
          %add3A_505 = arith.addf %add3A_492, %mul3A_504 : vector<16xf32>
          %mul3A_506 = arith.constant 4 : i32
          %mul3A_507 = arith.muli %scan3A_160, %mul3A_506 : i32
          %add3A_508 = arith.constant 2 : i32
          %add3A_509 = arith.addi %mul3A_507, %add3A_508 : i32
          %eq3A_510 = vector.broadcast %add3A_509 : i32 to vector<16xi32>
          %eq3A_511 = arith.cmpi eq, %iota3A, %eq3A_510 : vector<16xi32>
          %reduce_sum3A_512 = arith.constant true
          %reduce_sum3A_513 = vector.broadcast %reduce_sum3A_512 : i1 to vector<16xi1>
          %reduce_sum3A_514 = tpu.scan <sum>, %add3A_505 masked %reduce_sum3A_513 : vector<16xf32>, vector<16xi1> -> vector<16xf32>
          %reduce_sum3A_515 = vector.extract %reduce_sum3A_514[15] : f32 from vector<16xf32>
          %broadcast_in_dim3A_516 = vector.broadcast %reduce_sum3A_515 : f32 to vector<16xf32>
          %select_n3A_517 = arith.select %eq3A_511, %broadcast_in_dim3A_516, %select_n3A_397 : vector<16xi1>, vector<16xf32>
          %mul3A_518 = arith.constant 4 : i32
          %mul3A_519 = arith.muli %scan3A_160, %mul3A_518 : i32
          %add3A_520 = arith.addi %mul3A_116, %mul3A_519 : i32
          %add3A_521 = arith.constant 3 : i32
          %add3A_522 = arith.addi %add3A_520, %add3A_521 : i32
          %get3A_523 = arith.index_cast %add3A_522 : i32 to index
          %get3A_524 = arith.constant 0 : index
          %get3A_525 = tpu.vector_load %arg12[%get3A_523, %get3A_524] {strides = array<i32>} : memref<64x128xf32, #tpu.memory_space<vmem>>, vector<16xf32>,
          %get3A_526 = arith.index_cast %add3A_522 : i32 to index
          %get3A_527 = arith.constant 0 : index
          %get3A_528 = tpu.vector_load %arg14[%get3A_526, %get3A_527] {strides = array<i32>} : memref<64x128xf32, #tpu.memory_space<vmem>>, vector<16xf32>,
          %get3A_529 = arith.index_cast %add3A_522 : i32 to index
          %get3A_530 = arith.constant 0 : index
          %get3A_531 = tpu.vector_load %arg16[%get3A_529, %get3A_530] {strides = array<i32>} : memref<64x128xf32, #tpu.memory_space<vmem>>, vector<16xf32>,
          %add3A_532 = arith.addf %get3A_525, %get3A_528 : vector<16xf32>
          %sub3A_533 = arith.subf %add3A_532, %get3A_531 : vector<16xf32>
          %mul3A_534 = arith.mulf %sub3A_533, %sub3A_533 : vector<16xf32>
          %get3A_535 = arith.index_cast %add3A_522 : i32 to index
          %get3A_536 = arith.constant 16 : index
          %get3A_537 = tpu.vector_load %arg12[%get3A_535, %get3A_536] {strides = array<i32>} : memref<64x128xf32, #tpu.memory_space<vmem>>, vector<16xf32>,
          %get3A_538 = arith.index_cast %add3A_522 : i32 to index
          %get3A_539 = arith.constant 16 : index
          %get3A_540 = tpu.vector_load %arg14[%get3A_538, %get3A_539] {strides = array<i32>} : memref<64x128xf32, #tpu.memory_space<vmem>>, vector<16xf32>,
          %get3A_541 = arith.index_cast %add3A_522 : i32 to index
          %get3A_542 = arith.constant 16 : index
          %get3A_543 = tpu.vector_load %arg16[%get3A_541, %get3A_542] {strides = array<i32>} : memref<64x128xf32, #tpu.memory_space<vmem>>, vector<16xf32>,
          %add3A_544 = arith.addf %get3A_537, %get3A_540 : vector<16xf32>
          %sub3A_545 = arith.subf %add3A_544, %get3A_543 : vector<16xf32>
          %mul3A_546 = arith.mulf %sub3A_545, %sub3A_545 : vector<16xf32>
          %add3A_547 = arith.addf %mul3A_534, %mul3A_546 : vector<16xf32>
          %get3A_548 = arith.index_cast %add3A_522 : i32 to index
          %get3A_549 = arith.constant 32 : index
          %get3A_550 = tpu.vector_load %arg12[%get3A_548, %get3A_549] {strides = array<i32>} : memref<64x128xf32, #tpu.memory_space<vmem>>, vector<16xf32>,
          %get3A_551 = arith.index_cast %add3A_522 : i32 to index
          %get3A_552 = arith.constant 32 : index
          %get3A_553 = tpu.vector_load %arg14[%get3A_551, %get3A_552] {strides = array<i32>} : memref<64x128xf32, #tpu.memory_space<vmem>>, vector<16xf32>,
          %get3A_554 = arith.index_cast %add3A_522 : i32 to index
          %get3A_555 = arith.constant 32 : index
          %get3A_556 = tpu.vector_load %arg16[%get3A_554, %get3A_555] {strides = array<i32>} : memref<64x128xf32, #tpu.memory_space<vmem>>, vector<16xf32>,
          %add3A_557 = arith.addf %get3A_550, %get3A_553 : vector<16xf32>
          %sub3A_558 = arith.subf %add3A_557, %get3A_556 : vector<16xf32>
          %mul3A_559 = arith.mulf %sub3A_558, %sub3A_558 : vector<16xf32>
          %add3A_560 = arith.addf %add3A_547, %mul3A_559 : vector<16xf32>
          %get3A_561 = arith.index_cast %add3A_522 : i32 to index
          %get3A_562 = arith.constant 48 : index
          %get3A_563 = tpu.vector_load %arg12[%get3A_561, %get3A_562] {strides = array<i32>} : memref<64x128xf32, #tpu.memory_space<vmem>>, vector<16xf32>,
          %get3A_564 = arith.index_cast %add3A_522 : i32 to index
          %get3A_565 = arith.constant 48 : index
          %get3A_566 = tpu.vector_load %arg14[%get3A_564, %get3A_565] {strides = array<i32>} : memref<64x128xf32, #tpu.memory_space<vmem>>, vector<16xf32>,
          %get3A_567 = arith.index_cast %add3A_522 : i32 to index
          %get3A_568 = arith.constant 48 : index
          %get3A_569 = tpu.vector_load %arg16[%get3A_567, %get3A_568] {strides = array<i32>} : memref<64x128xf32, #tpu.memory_space<vmem>>, vector<16xf32>,
          %add3A_570 = arith.addf %get3A_563, %get3A_566 : vector<16xf32>
          %sub3A_571 = arith.subf %add3A_570, %get3A_569 : vector<16xf32>
          %mul3A_572 = arith.mulf %sub3A_571, %sub3A_571 : vector<16xf32>
          %add3A_573 = arith.addf %add3A_560, %mul3A_572 : vector<16xf32>
          %get3A_574 = arith.index_cast %add3A_522 : i32 to index
          %get3A_575 = arith.constant 64 : index
          %get3A_576 = tpu.vector_load %arg12[%get3A_574, %get3A_575] {strides = array<i32>} : memref<64x128xf32, #tpu.memory_space<vmem>>, vector<16xf32>,
          %get3A_577 = arith.index_cast %add3A_522 : i32 to index
          %get3A_578 = arith.constant 64 : index
          %get3A_579 = tpu.vector_load %arg14[%get3A_577, %get3A_578] {strides = array<i32>} : memref<64x128xf32, #tpu.memory_space<vmem>>, vector<16xf32>,
          %get3A_580 = arith.index_cast %add3A_522 : i32 to index
          %get3A_581 = arith.constant 64 : index
          %get3A_582 = tpu.vector_load %arg16[%get3A_580, %get3A_581] {strides = array<i32>} : memref<64x128xf32, #tpu.memory_space<vmem>>, vector<16xf32>,
          %add3A_583 = arith.addf %get3A_576, %get3A_579 : vector<16xf32>
          %sub3A_584 = arith.subf %add3A_583, %get3A_582 : vector<16xf32>
          %mul3A_585 = arith.mulf %sub3A_584, %sub3A_584 : vector<16xf32>
          %add3A_586 = arith.addf %add3A_573, %mul3A_585 : vector<16xf32>
          %get3A_587 = arith.index_cast %add3A_522 : i32 to index
          %get3A_588 = arith.constant 80 : index
          %get3A_589 = tpu.vector_load %arg12[%get3A_587, %get3A_588] {strides = array<i32>} : memref<64x128xf32, #tpu.memory_space<vmem>>, vector<16xf32>,
          %get3A_590 = arith.index_cast %add3A_522 : i32 to index
          %get3A_591 = arith.constant 80 : index
          %get3A_592 = tpu.vector_load %arg14[%get3A_590, %get3A_591] {strides = array<i32>} : memref<64x128xf32, #tpu.memory_space<vmem>>, vector<16xf32>,
          %get3A_593 = arith.index_cast %add3A_522 : i32 to index
          %get3A_594 = arith.constant 80 : index
          %get3A_595 = tpu.vector_load %arg16[%get3A_593, %get3A_594] {strides = array<i32>} : memref<64x128xf32, #tpu.memory_space<vmem>>, vector<16xf32>,
          %add3A_596 = arith.addf %get3A_589, %get3A_592 : vector<16xf32>
          %sub3A_597 = arith.subf %add3A_596, %get3A_595 : vector<16xf32>
          %mul3A_598 = arith.mulf %sub3A_597, %sub3A_597 : vector<16xf32>
          %add3A_599 = arith.addf %add3A_586, %mul3A_598 : vector<16xf32>
          %get3A_600 = arith.index_cast %add3A_522 : i32 to index
          %get3A_601 = arith.constant 96 : index
          %get3A_602 = tpu.vector_load %arg12[%get3A_600, %get3A_601] {strides = array<i32>} : memref<64x128xf32, #tpu.memory_space<vmem>>, vector<16xf32>,
          %get3A_603 = arith.index_cast %add3A_522 : i32 to index
          %get3A_604 = arith.constant 96 : index
          %get3A_605 = tpu.vector_load %arg14[%get3A_603, %get3A_604] {strides = array<i32>} : memref<64x128xf32, #tpu.memory_space<vmem>>, vector<16xf32>,
          %get3A_606 = arith.index_cast %add3A_522 : i32 to index
          %get3A_607 = arith.constant 96 : index
          %get3A_608 = tpu.vector_load %arg16[%get3A_606, %get3A_607] {strides = array<i32>} : memref<64x128xf32, #tpu.memory_space<vmem>>, vector<16xf32>,
          %add3A_609 = arith.addf %get3A_602, %get3A_605 : vector<16xf32>
          %sub3A_610 = arith.subf %add3A_609, %get3A_608 : vector<16xf32>
          %mul3A_611 = arith.mulf %sub3A_610, %sub3A_610 : vector<16xf32>
          %add3A_612 = arith.addf %add3A_599, %mul3A_611 : vector<16xf32>
          %get3A_613 = arith.index_cast %add3A_522 : i32 to index
          %get3A_614 = arith.constant 112 : index
          %get3A_615 = tpu.vector_load %arg12[%get3A_613, %get3A_614] {strides = array<i32>} : memref<64x128xf32, #tpu.memory_space<vmem>>, vector<16xf32>,
          %get3A_616 = arith.index_cast %add3A_522 : i32 to index
          %get3A_617 = arith.constant 112 : index
          %get3A_618 = tpu.vector_load %arg14[%get3A_616, %get3A_617] {strides = array<i32>} : memref<64x128xf32, #tpu.memory_space<vmem>>, vector<16xf32>,
          %get3A_619 = arith.index_cast %add3A_522 : i32 to index
          %get3A_620 = arith.constant 112 : index
          %get3A_621 = tpu.vector_load %arg16[%get3A_619, %get3A_620] {strides = array<i32>} : memref<64x128xf32, #tpu.memory_space<vmem>>, vector<16xf32>,
          %add3A_622 = arith.addf %get3A_615, %get3A_618 : vector<16xf32>
          %sub3A_623 = arith.subf %add3A_622, %get3A_621 : vector<16xf32>
          %mul3A_624 = arith.mulf %sub3A_623, %sub3A_623 : vector<16xf32>
          %add3A_625 = arith.addf %add3A_612, %mul3A_624 : vector<16xf32>
          %mul3A_626 = arith.constant 4 : i32
          %mul3A_627 = arith.muli %scan3A_160, %mul3A_626 : i32
          %add3A_628 = arith.constant 3 : i32
          %add3A_629 = arith.addi %mul3A_627, %add3A_628 : i32
          %eq3A_630 = vector.broadcast %add3A_629 : i32 to vector<16xi32>
          %eq3A_631 = arith.cmpi eq, %iota3A, %eq3A_630 : vector<16xi32>
          %reduce_sum3A_632 = arith.constant true
          %reduce_sum3A_633 = vector.broadcast %reduce_sum3A_632 : i1 to vector<16xi1>
          %reduce_sum3A_634 = tpu.scan <sum>, %add3A_625 masked %reduce_sum3A_633 : vector<16xf32>, vector<16xi1> -> vector<16xf32>
          %reduce_sum3A_635 = vector.extract %reduce_sum3A_634[15] : f32 from vector<16xf32>
          %broadcast_in_dim3A_636 = vector.broadcast %reduce_sum3A_635 : f32 to vector<16xf32>
          %select_n3A_637 = arith.select %eq3A_631, %broadcast_in_dim3A_636, %select_n3A_517 : vector<16xi1>, vector<16xf32>
          scf.yield %select_n3A_637 : vector<16xf32>
        }
        %scan3A_123 = arith.constant 4 : i32
        %max3A = arith.constant 1.000000e-30 : f32
        %max3A_124 = vector.broadcast %max3A : f32 to vector<16xf32>
        %max3A_125 = arith.maximumf %scan3A_122, %max3A_124 : vector<16xf32>
        %bitcast_convert_type3A = tpu.bitcast %max3A_125 : vector<16xf32> -> vector<16xi32>
        %shift_right_logical3A = arith.constant 1 : i32
        %shift_right_logical3A_126 = vector.broadcast %shift_right_logical3A : i32 to vector<16xi32>
        %shift_right_logical3A_127 = arith.shrui %bitcast_convert_type3A, %shift_right_logical3A_126 : vector<16xi32>
        %sub3A = arith.constant 1597463007 : i32
        %sub3A_128 = vector.broadcast %sub3A : i32 to vector<16xi32>
        %sub3A_129 = arith.subi %sub3A_128, %shift_right_logical3A_127 : vector<16xi32>
        %bitcast_convert_type3A_130 = tpu.bitcast %sub3A_129 : vector<16xi32> -> vector<16xf32>
        %mul3A_131 = arith.constant 5.000000e-01 : f32
        %mul3A_132 = vector.broadcast %mul3A_131 : f32 to vector<16xf32>
        %mul3A_133 = arith.mulf %mul3A_132, %max3A_125 : vector<16xf32>
        %mul3A_134 = arith.mulf %mul3A_133, %bitcast_convert_type3A_130 : vector<16xf32>
        %mul3A_135 = arith.mulf %mul3A_134, %bitcast_convert_type3A_130 : vector<16xf32>
        %sub3A_136 = arith.constant 1.500000e+00 : f32
        %sub3A_137 = vector.broadcast %sub3A_136 : f32 to vector<16xf32>
        %sub3A_138 = arith.subf %sub3A_137, %mul3A_135 : vector<16xf32>
        %mul3A_139 = arith.mulf %bitcast_convert_type3A_130, %sub3A_138 : vector<16xf32>
        %mul3A_140 = arith.mulf %mul3A_133, %mul3A_139 : vector<16xf32>
        %mul3A_141 = arith.mulf %mul3A_140, %mul3A_139 : vector<16xf32>
        %sub3A_142 = arith.constant 1.500000e+00 : f32
        %sub3A_143 = vector.broadcast %sub3A_142 : f32 to vector<16xf32>
        %sub3A_144 = arith.subf %sub3A_143, %mul3A_141 : vector<16xf32>
        %mul3A_145 = arith.mulf %mul3A_139, %sub3A_144 : vector<16xf32>
        %mul3A_146 = arith.mulf %mul3A_133, %mul3A_145 : vector<16xf32>
        %mul3A_147 = arith.mulf %mul3A_146, %mul3A_145 : vector<16xf32>
        %sub3A_148 = arith.constant 1.500000e+00 : f32
        %sub3A_149 = vector.broadcast %sub3A_148 : f32 to vector<16xf32>
        %sub3A_150 = arith.subf %sub3A_149, %mul3A_147 : vector<16xf32>
        %mul3A_151 = arith.mulf %mul3A_145, %sub3A_150 : vector<16xf32>
        %mul3A_152 = arith.mulf %max3A_125, %mul3A_151 : vector<16xf32>
        %neg3A = arith.constant 0.000000e+00 : f32
        %neg3A_153 = vector.broadcast %neg3A : f32 to vector<16xf32>
        %neg3A_154 = arith.subf %neg3A_153, %mul3A_152 : vector<16xf32>
        %mul3A_155 = arith.constant 64 : i32
        %mul3A_156 = arith.muli %add3A_99, %mul3A_155 : i32
        %add3A_157 = arith.addi %mul3A_156, %mul3A_116 : i32
        %swap3A = arith.index_cast %add3A_157 : i32 to index
        %swap3A_158 = tpu.vector_load %arg17[%swap3A] {strides = array<i32>} : memref<512xf32, #tpu.memory_space<vmem>>, vector<16xf32>,
        tpu.vector_store %arg17[%swap3A], %neg3A_154 {strides = array<i32>} : memref<512xf32, #tpu.memory_space<vmem>>, vector<16xf32>,
        %scan3A_159 = arith.constant 0 : i32
        scf.yield %scan3A_159 : i32
      }
      %scan3A_106 = arith.constant 4 : i32
      %lt3A_107 = arith.constant 3 : i32
      %lt3A_108 = arith.cmpi slt, %scan3A_49, %lt3A_107 : i32
      %convert_element_type3A_109 = arith.extui %lt3A_108 : i1 to i32
      %cond3A_110 = arith.constant 0 : i32
      %cond3A_111 = arith.cmpi ne, %convert_element_type3A_109, %cond3A_110 : i32
      scf.if %cond3A_111 {
        %add3A_113 = arith.constant 3 : i32
        %add3A_114 = arith.addi %mul3A_52, %add3A_113 : i32
        %mul3A_115 = arith.constant 64 : i32
        %mul3A_116 = arith.muli %add3A_114, %mul3A_115 : i32
        %dma_start3A_117 = tpu.memref_slice %arg8[%mul3A_116] : memref<512xi32, #tpu.memory_space<vmem>> -> memref<64xi32, #tpu.memory_space<vmem>>
        %dma_start3A_118 = arith.constant 0 : i32
        %dma_start3A_119 = arith.constant 0 : i32
        %dma_start3A_120 = tpu.memref_slice %arg2[%dma_start3A_118, %dma_start3A_119] : memref<100000x128xf32, #tpu.memory_space<hbm>> -> memref<100000x128xf32, #tpu.memory_space<hbm>>
        tpu.enqueue_indirect_dma source(%dma_start3A_120 : memref<100000x128xf32, #tpu.memory_space<hbm>>) target(%arg12 : memref<64x128xf32, #tpu.memory_space<vmem>>) offsets(%dma_start3A_117 : memref<64xi32, #tpu.memory_space<vmem>>) semaphore(%arg19 : memref<!tpu.dma_semaphore, #tpu.memory_space<semaphore_mem>>)
        %dma_start3A_121 = tpu.memref_slice %arg9[%mul3A_116] : memref<512xi32, #tpu.memory_space<vmem>> -> memref<64xi32, #tpu.memory_space<vmem>>
        %dma_start3A_122 = arith.constant 0 : i32
        %dma_start3A_123 = arith.constant 0 : i32
        %dma_start3A_124 = tpu.memref_slice %arg3[%dma_start3A_122, %dma_start3A_123] : memref<1000x128xf32, #tpu.memory_space<hbm>> -> memref<1000x128xf32, #tpu.memory_space<hbm>>
        tpu.enqueue_indirect_dma source(%dma_start3A_124 : memref<1000x128xf32, #tpu.memory_space<hbm>>) target(%arg14 : memref<64x128xf32, #tpu.memory_space<vmem>>) offsets(%dma_start3A_121 : memref<64xi32, #tpu.memory_space<vmem>>) semaphore(%arg19 : memref<!tpu.dma_semaphore, #tpu.memory_space<semaphore_mem>>)
        %dma_start3A_125 = tpu.memref_slice %arg10[%mul3A_116] : memref<512xi32, #tpu.memory_space<vmem>> -> memref<64xi32, #tpu.memory_space<vmem>>
        %dma_start3A_126 = arith.constant 0 : i32
        %dma_start3A_127 = arith.constant 0 : i32
        %dma_start3A_128 = tpu.memref_slice %arg2[%dma_start3A_126, %dma_start3A_127] : memref<100000x128xf32, #tpu.memory_space<hbm>> -> memref<100000x128xf32, #tpu.memory_space<hbm>>
        tpu.enqueue_indirect_dma source(%dma_start3A_128 : memref<100000x128xf32, #tpu.memory_space<hbm>>) target(%arg16 : memref<64x128xf32, #tpu.memory_space<vmem>>) offsets(%dma_start3A_125 : memref<64xi32, #tpu.memory_space<vmem>>) semaphore(%arg19 : memref<!tpu.dma_semaphore, #tpu.memory_space<semaphore_mem>>)
      } else {
      }
      %scan3A_112 = arith.constant 0 : i32
      scf.yield %scan3A_112 : i32
    }
    %scan3A_48 = arith.constant 4 : i32
    "tpu.region"() ({
      %run_scoped3A = tpu.sem_alloc : memref<!tpu.dma_semaphore, #tpu.memory_space<semaphore_mem>>
      %dma_start3A_49 = tpu.memref_slice %arg7[%mul3A_2] : memref<16384xf32, #tpu.memory_space<hbm>> -> memref<512xf32, #tpu.memory_space<hbm>>
      %dma_start3A_50 = tpu.memref_slice %arg7[%mul3A_2] : memref<16384xf32, #tpu.memory_space<hbm>> -> memref<512xf32, #tpu.memory_space<hbm>>
      tpu.enqueue_dma source(%arg17 : memref<512xf32, #tpu.memory_space<vmem>>) target(%dma_start3A_50 : memref<512xf32, #tpu.memory_space<hbm>>) target_semaphore(%run_scoped3A : memref<!tpu.dma_semaphore, #tpu.memory_space<semaphore_mem>>)
      %dma_wait3A_51 = tpu.memref_slice %arg7[%mul3A_2] : memref<16384xf32, #tpu.memory_space<hbm>> -> memref<512xf32, #tpu.memory_space<hbm>>
      %dma_wait3A_52 = tpu.memref_slice %arg7[%mul3A_2] : memref<16384xf32, #tpu.memory_space<hbm>> -> memref<512xf32, #tpu.memory_space<hbm>>
      tpu.wait_dma2 semaphore(%run_scoped3A : memref<!tpu.dma_semaphore, #tpu.memory_space<semaphore_mem>>) src(%arg17 : memref<512xf32, #tpu.memory_space<vmem>>) dst(%dma_wait3A_52 : memref<512xf32, #tpu.memory_space<hbm>>)
      tpu.yield
    }) : () -> ()
    return
  }
}

</mosaic_0001>

<sc_bundles>
// kernel: _transe_sc.3.cloned.1.call-start
scs
__scs_entry_jumppad:
0x0: {  	(pc) =	sbr.rel $0x88, $3  }
0x1: {  	(tag) =	ssettag $0x0;
	lr =	simm.s32 $0x1  }
0x2: {  	[smem:$0x3F9C] =	sst lr;
	_ =	strace $0xD0000000  }
0x3: {  	_ = 	snop  }
0x4: {  	_ = 	snop  }
0x5: {  	_ = 	snop  }
0x6: {  	_ = 	snop  }
0x7: {  	_ = 	snop  }
__scs_overlays_trampoline_lowered:
0x8: {  	[smem:$0x3FAB] =	sst s0  }
0x9: {  	[smem:$0x3FAC] =	sst s1  }
0xa: {  	[smem:$0x3FAD] =	sst s2  }
0xb: {  	[smem:$0x3FAE] =	sst s3  }
0xc: {  	[smem:$0x3FAF] =	sst s4  }
0xd: {  	[smem:$0x3FB0] =	sst s5  }
0xe: {  	[smem:$0x3FB1] =	sst s6  }
0xf: {  	[smem:$0x3FB2] =	sst s7  }
0x10: {  	[smem:$0x3FB3] =	sst s8  }
0x11: {  	[smem:$0x3FB4] =	sst s9;
	s0 =	simm.s32 @!p0 $0x0  }
0x12: {  	s1 =	sld [smem:$0x3F9A];
	s0 =	simm.s32 @p0 $0x1  }
0x13: {  	[smem:$0x3FB5] =	sst s0;
	s0 =	simm.s32 @!p1 $0x0  }
0x14: {  	s2 =	sld [smem:$0x3F99];
	s0 =	simm.s32 @p1 $0x1  }
0x15: {  	[smem:$0x3FB6] =	sst s0;
	s0 =	simm.s32 @!p2 $0x0  }
0x16: {  	s3 =	sld [smem:$0x3FDB];
	s0 =	simm.s32 @p2 $0x1  }
0x17: {  	s4 =	simm.s32 $0x1BF5;
	[smem:$0x3FB8] =	sst s0  }
0x18: {  	s0 =	sld [smem:$0x3F9B];
	_ =	swait.ge [sflag:s4], $0x0  }
0x19: {  	s7 =	sld [smem:$0x3F9C]  }
0x1a: {  	s8 =	sadd.s32 $0xFFFFE003, lr  }
0x1b: {  	s9 =	sadd.s32 $0xFFFFFEF7, lr;
	s5 =	simm.s32 $0xFFFFFFFF;
	p2 =	slt.u32 s8, $0xFFFFF086  }
0x1c: {  	p1 =	slt.u32 s9, $0xF7A;
	s5 =	simm.s32 @!p2 $0x0  }
0x1d: {  	s5 =	simm.s32 @p1 $0x1;
	p0 =	seq.s32 s7, s2  }
0x1e: {  	s7 =	smul.u32 @!p0 $0xF7A, s2;
	p2 =	seq.s32 @!p0 s5, $0x0  }
0x1f: {  	s9 =	smul.u32 $0xF7A, s1;
	s8 =	simm.s32 @!p0 $0x1BF5;
	p2 =	por !p2, p0  }
0x20: {  	[sflag:s8] =	ssyncset.s32 @!p0 $0xFFFFF086;
	s6 =	sadd.s32 @!p0 s3, s7;
	s7 =	simm.s32 @!p0 $0x108  }
0x21: {  	s3 =	sadd.s32 s3, s9;
	s6 =	sadd.s32 @!p0 $0x88, s6;
	s7 =	simm.s32 @p2 $0x1082  }
0x22: {  	[simem:s7], [sflag:s8] =	dma.local @!p0 [hbm:s6], $0xF7A  }
0x23: {  	s9 =	sor.u32 $0xD0000000, s2;
	s6 =	simm.s32 $0x108;
	_ =	swait.ge @!p0 [sflag:s8], $0x0  }
0x24: {  	s3 =	sadd.s32 $0x88, s3;
	s6 =	simm.s32 @!p1 $0x1082;
	[sflag:s4] =	ssyncset.s32 $0xFFFFF086  }
0x25: {  	[simem:s6], [sflag:s4] =	dma.local [hbm:s3], $0xF7A  }
0x26: {  	[smem:$0x3F9C] =	sst s1;
	(tag) =	ssettag s2;
	_ =	strace s9  }
0x27: {  	s1 =	sld [smem:$0x3FAC]  }
0x28: {  	s2 =	sld [smem:$0x3FAD]  }
0x29: {  	s4 =	sld [smem:$0x3FAF]  }
0x2a: {  	p0 =	seq.s32 s5, $0x0;
	s5 =	sld [smem:$0x3FB0]  }
0x2b: {  	s6 =	sld [smem:$0x3FB1]  }
0x2c: {  	s7 =	sld [smem:$0x3FB2]  }
0x2d: {  	s3 =	simm.s32 $0x108;
	s8 =	sld [smem:$0x3FB3]  }
0x2e: {  	s3 =	simm.s32 @!p0 $0x1082;
	s9 =	sld [smem:$0x3FB4]  }
0x2f: {  	lr =	sadd.s32 s0, s3;
	s0 =	sld [smem:$0x3FAB]  }
0x30: {  	s3 =	sld [smem:$0x3FAE]  }
0x31: {  	[smem:$0x3FB7] =	sst s10  }
0x32: {  	s10 =	sld [smem:$0x3FB5];
	_ =	sdelay $0x3  }
0x33: {  	p0 =	seq.s32 s10, $0x1;
	s10 =	sld [smem:$0x3FB7];
	_ =	sdelay $0x3  }
0x34: {  	[smem:$0x3FB7] =	sst s10  }
0x35: {  	s10 =	sld [smem:$0x3FB6];
	_ =	sdelay $0x3  }
0x36: {  	p1 =	seq.s32 s10, $0x1;
	s10 =	sld [smem:$0x3FB7];
	_ =	sdelay $0x3  }
0x37: {  	[smem:$0x3FB7] =	sst s10  }
0x38: {  	s10 =	sld [smem:$0x3FB8]  }
0x39: {  	_ = 	snop;
	(pc) =	sbr.ind lr, $3  }
0x3a: {  	_ = 	snop  }
0x3b: {  	_ = 	snop  }
0x3c: {  	p2 =	seq.s32 s10, $0x1;
	s10 =	sld [smem:$0x3FB7]  }
0x3d: {  	_ =	shalt  }
0x3e: {  	_ =	shalt  }
0x3f: {  	_ =	shalt  }
0x40: {  	_ =	shalt  }
0x41: {  	_ =	shalt  }
0x42: {  	_ =	shalt  }
0x43: {  	_ =	shalt  }
0x44: {  	_ =	shalt  }
0x45: {  	_ =	shalt  }
0x46: {  	_ =	shalt  }
0x47: {  	_ =	shalt  }
0x48: {  	_ =	shalt  }
0x49: {  	_ =	shalt  }
0x4a: {  	_ =	shalt  }
0x4b: {  	_ =	shalt  }
0x4c: {  	_ =	shalt  }
0x4d: {  	_ =	shalt  }
0x4e: {  	_ =	shalt  }
0x4f: {  	_ =	shalt  }
0x50: {  	_ =	shalt  }
0x51: {  	_ =	shalt  }
0x52: {  	_ =	shalt  }
0x53: {  	_ =	shalt  }
0x54: {  	_ =	shalt  }
0x55: {  	_ =	shalt  }
0x56: {  	_ =	shalt  }
0x57: {  	_ =	shalt  }
0x58: {  	_ =	shalt  }
0x59: {  	_ =	shalt  }
0x5a: {  	_ =	shalt  }
0x5b: {  	_ =	shalt  }
0x5c: {  	_ =	shalt  }
0x5d: {  	_ =	shalt  }
0x5e: {  	_ =	shalt  }
0x5f: {  	_ =	shalt  }
0x60: {  	_ =	shalt  }
0x61: {  	_ =	shalt  }
0x62: {  	_ =	shalt  }
0x63: {  	_ =	shalt  }
0x64: {  	_ =	shalt  }
0x65: {  	_ =	shalt  }
0x66: {  	_ =	shalt  }
0x67: {  	_ =	shalt  }
0x68: {  	_ =	shalt  }
0x69: {  	_ =	shalt  }
0x6a: {  	_ =	shalt  }
0x6b: {  	_ =	shalt  }
0x6c: {  	_ =	shalt  }
0x6d: {  	_ =	shalt  }
0x6e: {  	_ =	shalt  }
0x6f: {  	_ =	shalt  }
0x70: {  	_ =	shalt  }
0x71: {  	_ =	shalt  }
0x72: {  	_ =	shalt  }
0x73: {  	_ =	shalt  }
0x74: {  	_ =	shalt  }
0x75: {  	_ =	shalt  }
0x76: {  	_ =	shalt  }
0x77: {  	_ =	shalt  }
0x78: {  	_ =	shalt  }
0x79: {  	_ =	shalt  }
0x7a: {  	_ =	shalt  }
0x7b: {  	_ =	shalt  }
0x7c: {  	_ =	shalt  }
0x7d: {  	_ =	shalt  }
0x7e: {  	_ =	shalt  }
0x7f: {  	_ =	shalt  }
0x80: {  	_ =	shalt  }
0x81: {  	_ =	shalt  }
0x82: {  	_ =	shalt  }
0x83: {  	_ =	shalt  }
0x84: {  	_ =	shalt  }
0x85: {  	_ =	shalt  }
0x86: {  	_ =	shalt  }
0x87: {  	_ =	shalt  }
.Lfunc_end0:
.L_simem_size_0:
called_computation_lowered:
.L_overlay_start_0:
0x88: {  	s2 =	sld [smem:$0x3FD9]  }
0x89: {  	s3 =	sld [smem:$0x3FFE];
	_ =	sdelay $0x1  }
0x8a: {  	s1 =	srdreg.scid  }
0x8b: {  	s0 =	sand.u32 $0x1, s1  }
0x8c: {  	s18 =	sshll.u32 s0, $0xA;
	s2 =	sadd.s32 s3, s2  }
0x8d: {  	s2 =	sadd.s32 s2, s18  }
0x8e: {  	[smem:$0x3FC3] =	sst s2  }
0x8f: {  	_ = 	snop  }
0x90: {  	s2 =	sld [smem:$0x3FC9]  }
0x91: {  	s19 =	sld [smem:$0x3FC8]  }
0x92: {  	s4 =	sld [smem:$0x3FC7]  }
0x93: {  	s5 =	sld [smem:$0x3FC6]  }
0x94: {  	s6 =	sld [smem:$0x3FC5]  }
0x95: {  	s7 =	sld [smem:$0x3FD0];
	(tm) =	ssettm $0x1  }
0x96: {  	s8 =	sld [smem:$0x3FFB];
	_ =	sdelay $0x3  }
0x97: {  	_ =	strace s8  }
0x98: {  	s8 =	sld [smem:$0x3FFC];
	_ =	sdelay $0x3  }
0x99: {  	_ =	strace s8  }
0x9a: {  	s8 =	sld [smem:$0x3FFD];
	_ =	sdelay $0x3  }
0x9b: {  	_ =	strace s8  }
0x9c: {  	_ =	strace $0x8FFFFFFF  }
0x9d: {  	s20 =	sld [smem:$0x3FDB];
	_ =	sdelay $0x1  }
0x9e: {  	s9 =	simm.s32 $_scs_section_size  }
0x9f: {  	s10 =	simm.s32 $_size__tile_overlayer_lowered;
	s11 =	simm.s32 $_tile_overlayer_lowered  }
0xa0: {  	s23 =	simm.s32 $0x1BFF;
	s22 =	sshll.u32 s11, $0x1;
	s8 =	sadd.s32 s9, s20  }
0xa1: {  	s12 =	simm.s32 $0x0;
	s21 =	sshll.u32 s10, $0x1;
	s10 =	sadd.s32 s22, s8  }
0xa2: {  	[timem:s12], [sflag:s23] =	dma.local [hbm:s10], s21  }
0xa3: {  	_ =	swait.ge [sflag:s23], s21  }
0xa4: {  	s9 =	ssub.s32 $0x0, s21;
	[sflag:s23] =	ssyncset.done $0x0  }
0xa5: {  	[sflag:s23] =	ssyncadd.s32 s9;
	_ =	sdelay $0x1  }
0xa6: {  	s24 =	simm.s32 $0x1B8B  }
0xa7: {  	_ =	swait.ge [sflag:s24], $0x1  }
0xa8: {  	[sflag:s24] =	ssyncset.done $0x0  }
0xa9: {  	s25 =	simm.s32 $0x1B8E;
	[sflag:s24] =	ssyncadd.s32 $0xFFFFFFFF  }
0xaa: {  	s26 =	simm.s32 $execute0_lowered;
	[smem:$0x3FD2] =	sst s25  }
0xab: {  	s9 =	sshll.u32 s26, $0x1;
	_ =	strace $0x80000046;
	[dreg:$0x1] =	wrdreg $0xFFFFFFFF  }
0xac: {  	s28 =	simm.s32 $_size_execute0_lowered;
	s8 =	sadd.s32 s8, s9;
	[dreg:$0x0] =	wrdreg $0x0  }
0xad: {  	s9 =	sshll.u32 s28, $0x1;
	[dreg:$0x2] =	wrdreg s8  }
0xae: {  	[dreg:$0x3] =	wrdreg s9  }
0xaf: {  	[dreg:$0x4] =	wrdreg $0xC0  }
0xb0: {  	_ =	task [dreg:s12], $0x5FFFF  }
0xb1: {  	[dreg:$0x1] =	wrdreg $0xFFFFFFFF  }
0xb2: {  	[dreg:$0x0] =	wrdreg $0x60  }
0xb3: {  	[dreg:$0x2] =	wrdreg s2  }
0xb4: {  	[dreg:$0x3] =	wrdreg s19  }
0xb5: {  	[dreg:$0x4] =	wrdreg s4  }
0xb6: {  	[dreg:$0x5] =	wrdreg s5  }
0xb7: {  	[dreg:$0x6] =	wrdreg s6  }
0xb8: {  	[dreg:$0x7] =	wrdreg s7  }
0xb9: {  	[dreg:$0x8] =	wrdreg $0x9  }
0xba: {  	_ =	task.clear_ibuf [dreg:s12], $0x9FFFF;
	_ =	strace $0x90000046  }
0xbb: {  	s29 =	simm.s32 $0x9;
	_ =	strace $0x80000048  }
0xbc: {  	_ =	swait.ge [sflag:s29], $0x1  }
0xbd: {  	[sflag:s29] =	ssyncadd.s32 $0xFFFFFFFF  }
0xbe: {  	_ =	strace $0x90000048  }
0xbf: {  	_ =	sfence  }
0xc0: {  	s30 =	sld [smem:$0x0];
	_ =	sdelay $0x2  }
0xc1: {  	s31 =	sshll.u32 s1, $0xD;
	s1 =	sshrl.u32 s1, $0x2  }
0xc2: {  	s3 =	sand.u32 $0x4000, s31;
	s1 =	sadd.s32 s1, s30  }
0xc3: {  	s0 =	sor.u32 s3, s0;
	s1 =	sshll.u32 s1, $0x11  }
0xc4: {  	s0 =	sor.u32 s1, s0  }
0xc5: {  	s0 =	sadd.s32 $0x8F2B, s0  }
0xc6: {  	[sflag:s0] =	ssyncadd.remote.s32 $0x1  }
0xc7: {  	_ =	sfence.sel $0xFFFF  }
0xc8: {  	[dreg:$0x0] =	wrdreg $0xFFFFFFFF;
	(pc) =	sbr.abs _section_cstart, $3  }
0xc9: {  	[dreg:$0x1] =	wrdreg $0xFFFFFFFF  }
0xca: {  	_ =	task.clear_ibuf [dreg:s12], $0x2FFFF;
	_ =	strace $0x9FFFFFFF  }
0xcb: {  	(tm) =	ssettm $0x7FFFFFFF  }
tec
execute0_lowered:
.L_overlay_start_1:
0x0: {  	(tag) =	ssettag $0x1  }
0x1: {  	s0 =	rddreg [dreg:$0x0]  }
0x2: {  	s2 =	rddreg [dreg:$0x1]  }
0x3: {  	s1 =	rddreg [dreg:$0x2]  }
0x4: {  	s3 =	rddreg [dreg:$0x3]  }
0x5: {  	s7 =	rddreg [dreg:$0x4]  }
0x6: {  	s8 =	rddreg [dreg:$0x5]  }
0x7: {  	s5 =	srdreg.scid;
	s4 =	simm.s32 $0x0;
	s10 =	stileid.u32  }
0x8: {  	s12 =	simm.s32 $0x1;
	s13 =	simm.s32 $0x40;
	s17 =	simm.s32 $0x2600  }
0x9: {  	s19 =	simm.s32 $0x6600;
	s21 =	simm.s32 $0xA600;
	s22 =	simm.s32 $0x2  }
0xa: {  	s24 =	simm.s32 $0x3;
	s25 =	simm.s32 $0x0;
	s5 =	sand.u32 $0x1, s5  }
.Ltmp0:
0xb: {  	[smem:$0x7FF] =	sst s4;
	s6 =	ssub.s32 $0x2, s5;
	(pc) =	sbr.rel .LBB2_1-.Ltmp0, $4  }
0xc: {  	s10 =	sshll.u32 s10, $0x7;
	s5 =	sshll.u32 s5, $0x6;
	s9 =	sshrl.u32 s6, $0x1  }
0xd: {  	_ =	strace $0x80000047;
	s10 =	sor.u32 s5, s10;
	s9 =	ssub.s32 s6, s9  }
0xe: {  	s1 =	sadd.s32 s1, s10;
	s6 =	sadd.s32 s3, s10;
	s7 =	sadd.s32 s7, s10  }
0xf: {  	s8 =	sadd.s32 s8, s10;
	[dreg:$0x7] =	wrdreg s1;
	s9 =	smax.u32 s9, $0x1  }
.LBB2_12:
0x10: {  	s25 =	sadd.s32 $0x1, s25  }
0x11: {  	p0 =	sne.s32 s25, s9  }
.Ltmp1:
0x12: {  	s1 =	simm.s32 $0xC600;
	(pc) =	sbr.rel @!p0 .LBB2_13-.Ltmp1, $4  }
0x13: {  	[hbm4b:s8+s4] =	stream.linear.scatter [tilespmem:s1], [sflag:$0x3], $0x200, $0x38;
	[tilespmem:$0xC800] =	vst v63  }
0x14: {  	_ =	swait.ge [sflag:s24], $0x200  }
0x15: {  	[sflag:s24] =	ssyncset.done $0x0  }
0x16: {  	[sflag:s24] =	ssyncadd.s32 $0xFFFFFE00  }
.LBB2_1:
0x17: {  	s1 =	rddreg [dreg:$0x7]  }
0x18: {  	[tilespmem:s4], [sflag:$0x1] =	stream.linear.gather [hbm4b:s1+s4], $0x200, $0x38;
	[tilespmem:$0xC800] =	vst v63  }
0x19: {  	s26 =	simm.s32 $0x200  }
0x1a: {  	[tilespmem:s26], [sflag:$0x1] =	stream.linear.gather [hbm4b:s6+s4], $0x200, $0x38;
	[tilespmem:$0xC800] =	vst v63  }
0x1b: {  	s3 =	simm.s32 $0x400  }
0x1c: {  	[tilespmem:s3], [sflag:$0x1] =	stream.linear.gather [hbm4b:s7+s4], $0x200, $0x38;
	[tilespmem:$0xC800] =	vst v63  }
0x1d: {  	_ =	swait.ge [sflag:s12], $0x200  }
0x1e: {  	[sflag:s12] =	ssyncset.done $0x0  }
0x1f: {  	[sflag:s12] =	ssyncadd.s32 $0xFFFFFE00  }
0x20: {  	_ =	swait.ge [sflag:s12], $0x200  }
0x21: {  	[sflag:s12] =	ssyncset.done $0x0  }
0x22: {  	[sflag:s12] =	ssyncadd.s32 $0xFFFFFE00  }
0x23: {  	_ =	swait.ge [sflag:s12], $0x200  }
0x24: {  	[sflag:s12] =	ssyncset.done $0x0  }
0x25: {  	s5 =	simm.s32 $0x600;
	[sflag:s12] =	ssyncadd.s32 $0xFFFFFE00  }
0x26: {  	[tilespmem:s5], [sflag:$0x1] =	stream.indirect.gather [hbm4b:s0+s13], $0x80, s4, s13, $0xb8;
	[tilespmem:$0xC800] =	vst v63  }
0x27: {  	s28 =	simm.s32 $0x4600  }
0x28: {  	[tilespmem:s28], [sflag:$0x1] =	stream.indirect.gather [hbm4b:s2+s13], $0x80, s26, s13, $0xb8;
	[tilespmem:$0xC800] =	vst v63  }
0x29: {  	s29 =	simm.s32 $0x8600  }
0x2a: {  	[tilespmem:s29], [sflag:$0x1] =	stream.indirect.gather [hbm4b:s0+s13], $0x80, s3, s13, $0xb8;
	[tilespmem:$0xC800] =	vst v63  }
0x2b: {  	_ = 	snop  }
0x2c: {  	[tilespmem:s17], [sflag:$0x2] =	stream.indirect.gather [hbm4b:s0+s13], $0x80, s13, s13, $0xb8;
	[tilespmem:$0xC800] =	vst v63  }
0x2d: {  	s30 =	simm.s32 $0x240  }
0x2e: {  	[tilespmem:s19], [sflag:$0x2] =	stream.indirect.gather [hbm4b:s2+s13], $0x80, s30, s13, $0xb8;
	[tilespmem:$0xC800] =	vst v63  }
0x2f: {  	s31 =	simm.s32 $0x440;
	s26 =	simm.s32 $0x0  }
0x30: {  	[tilespmem:s21], [sflag:$0x2] =	stream.indirect.gather [hbm4b:s0+s13], $0x80, s31, s13, $0xb8;
	[tilespmem:$0xC800] =	vst v63  }
.LBB2_2:
0x31: {  	_ =	swait.ge [sflag:s12], $0x2000  }
0x32: {  	[sflag:s12] =	ssyncset.done $0x0  }
0x33: {  	[sflag:s12] =	ssyncadd.s32 $0xFFFFE000  }
0x34: {  	_ =	swait.ge [sflag:s12], $0x2000  }
0x35: {  	s28 =	sshll.u32 s26, $0x7;
	[sflag:s12] =	ssyncset.done $0x0  }
0x36: {  	s29 =	sand.u32 $0x3FFFFF80, s28;
	[sflag:s12] =	ssyncadd.s32 $0xFFFFE000  }
0x37: {  	s1 =	sadd.s32 $0xC600, s29;
	_ =	swait.ge [sflag:s12], $0x2000  }
0x38: {  	s30 =	simm.s32 $0x0;
	s23 =	simm.s32 $0x700;
	v0 =	vmov s1;
	[sflag:s12] =	ssyncset.done $0x0  }
0x39: {  	s10 =	simm.s32 $0x4700;
	s20 =	simm.s32 $0x8700;
	[tilespmem:$0x1FFF0] =	vst v0;
	[sflag:s12] =	ssyncadd.s32 $0xFFFFE000  }
.LBB2_3:
0x3a: {  	v0 =	vld [tilespmem:s20+$0x70]  }
0x3b: {  	v55 =	vld [tilespmem:s20+$0xFFFFFFF0]  }
0x3c: {  	v56 =	vld [tilespmem:s20+$0xE0]  }
0x3d: {  	v7 =	vld [tilespmem:s23+$0xF0]  }
0x3e: {  	v4 =	vld [tilespmem:s10+$0xF0]  }
0x3f: {  	v57 =	vld [tilespmem:s20+$0x60]  }
0x40: {  	v3 =	vld [tilespmem:s23+$0x70]  }
0x41: {  	v9 =	vld [tilespmem:s10+$0x70]  }
0x42: {  	v10 =	vld [tilespmem:s20+$0xFFFFFFE0]  }
0x43: {  	v11 =	vld [tilespmem:s23+$0xFFFFFFF0]  }
0x44: {  	v12 =	vld [tilespmem:s10+$0xFFFFFFF0]  }
0x45: {  	v13 =	vld [tilespmem:s20+$0xD0]  }
0x46: {  	v14 =	vld [tilespmem:s23+$0xE0]  }
0x47: {  	v15 =	vld [tilespmem:s10+$0xE0]  }
0x48: {  	v16 =	vld [tilespmem:s20+$0xFFFFFF60]  }
0x49: {  	v17 =	vld [tilespmem:s23+$0xFFFFFF70]  }
0x4a: {  	v18 =	vld [tilespmem:s10+$0xFFFFFF70]  }
0x4b: {  	v20 =	vld [tilespmem:s20+$0x50]  }
0x4c: {  	v19 =	vld [tilespmem:s23+$0x60]  }
0x4d: {  	v21 =	vld [tilespmem:s10+$0x60]  }
0x4e: {  	v22 =	vld [tilespmem:s20+$0xFFFFFFD0]  }
0x4f: {  	v23 =	vld [tilespmem:s23+$0xFFFFFFE0]  }
0x50: {  	v24 =	vld [tilespmem:s10+$0xFFFFFFE0]  }
0x51: {  	v25 =	vld [tilespmem:s20+$0xC0]  }
0x52: {  	v26 =	vld [tilespmem:s23+$0xD0]  }
0x53: {  	v27 =	vld [tilespmem:s10+$0xD0]  }
0x54: {  	v29 =	vld [tilespmem:s20+$0xFFFFFF50]  }
0x55: {  	v28 =	vld [tilespmem:s23+$0xFFFFFF60]  }
0x56: {  	v30 =	vld [tilespmem:s10+$0xFFFFFF60]  }
0x57: {  	v31 =	vld [tilespmem:s20+$0x40]  }
0x58: {  	v32 =	vld [tilespmem:s23+$0x50]  }
0x59: {  	v33 =	vld [tilespmem:s10+$0x50]  }
0x5a: {  	v34 =	vld [tilespmem:s20+$0xFFFFFFC0]  }
0x5b: {  	v35 =	vld [tilespmem:s23+$0xFFFFFFD0]  }
0x5c: {  	v36 =	vld [tilespmem:s10+$0xFFFFFFD0]  }
0x5d: {  	v37 =	vld [tilespmem:s23+$0xC0]  }
0x5e: {  	v38 =	vld [tilespmem:s10+$0xC0]  }
0x5f: {  	v39 =	vld [tilespmem:s23+$0xFFFFFF50]  }
0x60: {  	v40 =	vld [tilespmem:s10+$0xFFFFFF50]  }
0x61: {  	v41 =	vld [tilespmem:s23+$0x40]  }
0x62: {  	v42 =	vld [tilespmem:s10+$0x40]  }
0x63: {  	v43 =	vld [tilespmem:s23+$0xFFFFFFC0]  }
0x64: {  	v44 =	vld [tilespmem:s10+$0xFFFFFFC0]  }
0x65: {  	v45 =	vld [tilespmem:s23+$0xB0]  }
0x66: {  	v46 =	vld [tilespmem:s10+$0xB0]  }
0x67: {  	v47 =	vld [tilespmem:s23+$0xFFFFFF40]  }
0x68: {  	v48 =	vld [tilespmem:s10+$0xFFFFFF40]  }
0x69: {  	v49 =	vld [tilespmem:s23+$0x30]  }
0x6a: {  	v50 =	vld [tilespmem:s10+$0x30]  }
0x6b: {  	v51 =	vld [tilespmem:s23+$0xFFFFFFB0]  }
0x6c: {  	v52 =	vld [tilespmem:s10+$0xFFFFFFB0]  }
0x6d: {  	v53 =	vld [tilespmem:s23+$0xA0]  }
0x6e: {  	v54 =	vld [tilespmem:s10+$0xA0]  }
0x6f: {  	v58 =	vld [tilespmem:s10+$0x20]  }
0x70: {  	v59 =	vld [tilespmem:s23+$0xFFFFFFA0]  }
0x71: {  	v60 =	vld [tilespmem:s10+$0xFFFFFFA0]  }
0x72: {  	v61 =	vld [tilespmem:s23+$0x80]  }
0x73: {  	v62 =	vld [tilespmem:s10+$0x80]  }
0x74: {  	v63 =	vld [tilespmem:s23+$0x90]  }
0x75: {  	v6 =	vld [tilespmem:s10+$0x90]  }
0x76: {  	v2 =	vld [tilespmem:s23+$0xFFFFFF20]  }
0x77: {  	v1 =	vld [tilespmem:s10+$0xFFFFFF20]  }
0x78: {  	v5 =	vld [tilespmem:s23+$0x0]  }
0x79: {  	[tilespmem:$0x1FFB0] =	vst v55;
	v55 =	vld [tilespmem:s23+$0xFFFFFF30]  }
0x7a: {  	[tilespmem:$0x1FFE0] =	vst v56;
	v56 =	vld [tilespmem:s10+$0xFFFFFF30]  }
0x7b: {  	[tilespmem:$0x1FFD0] =	vst v57;
	v57 =	vld [tilespmem:s23+$0x20]  }
0x7c: {  	[tilespmem:$0x1FFC0] =	vst v0;
	v0 =	vadd.f32 v4, v7;
	v7 =	vld [tilespmem:s10+$0x0]  }
0x7d: {  	v11 =	vadd.f32 v12, v11;
	v12 =	vadd.f32 v15, v14;
	v14 =	vld [tilespmem:s23+$0x10]  }
0x7e: {  	v15 =	vld [tilespmem:s10+$0x10]  }
0x7f: {  	v30 =	vadd.f32 v30, v28;
	v28 =	vld [tilespmem:s23+$0xFFFFFF90]  }
0x80: {  	v8 =	vadd.f32 v33, v32;
	v32 =	vld [tilespmem:s10+$0xFFFFFF90]  }
0x81: {  	v35 =	vadd.f32 v36, v35;
	v36 =	vadd.f32 v38, v37;
	v33 =	vld [tilespmem:s23+$0xFFFFFF00]  }
0x82: {  	v37 =	vadd.f32 v40, v39;
	v39 =	vadd.f32 v44, v43;
	v43 =	vld [tilespmem:s10+$0xFFFFFF00]  }
0x83: {  	v40 =	vadd.f32 v46, v45;
	v46 =	vld [tilespmem:s23+$0xFFFFFF10]  }
0x84: {  	v44 =	vadd.f32 v52, v51;
	v52 =	vld [tilespmem:s20+$0xB0]  }
0x85: {  	v1 =	vadd.f32 v1, v2;
	v2 =	vld [tilespmem:s20+$0xFFFFFF40]  }
0x86: {  	v9 =	vadd.f32 v9, v3;
	v45 =	vadd.f32 v54, v53;
	v54 =	vld [tilespmem:s20+$0xFFFFFFB0]  }
0x87: {  	v38 =	vadd.f32 v42, v41;
	v51 =	vadd.f32 v62, v61;
	v61 =	vld [tilespmem:s20+$0x20]  }
0x88: {  	v41 =	vadd.f32 v48, v47;
	v42 =	vadd.f32 v50, v49;
	v62 =	vld [tilespmem:s20+$0xFFFFFFA0]  }
0x89: {  	v50 =	vadd.f32 v60, v59;
	v53 =	vadd.f32 v6, v63;
	v63 =	vld [tilespmem:s20+$0x90]  }
0x8a: {  	v59 =	vld [tilespmem:$0x1FFD0];
	[tilespmem:$0x1FF90] =	vst v0;
	v0 =	vadd.f32 v18, v17;
	v18 =	vadd.f32 v21, v19  }
0x8b: {  	v60 =	vld [tilespmem:$0x1FFE0];
	v21 =	vadd.f32 v24, v23;
	v23 =	vadd.f32 v27, v26  }
0x8c: {  	v17 =	vld [tilespmem:s23+$0xFFFFFF80];
	v47 =	vadd.f32 v56, v55;
	v48 =	vadd.f32 v58, v57  }
0x8d: {  	v19 =	vld [tilespmem:s10+$0xFFFFFF80];
	v24 =	vadd.f32 v7, v5;
	v26 =	vadd.f32 v15, v14  }
0x8e: {  	v58 =	vld [tilespmem:s10+$0xFFFFFF10];
	v15 =	vadd.f32 v43, v33;
	v14 =	vsub.f32 v30, v16  }
0x8f: {  	v7 =	vld [tilespmem:s20+$0x30];
	v30 =	vsub.f32 v8, v20;
	v8 =	vsub.f32 v35, v22  }
0x90: {  	v43 =	vld [tilespmem:s20+$0xA0];
	v16 =	vsub.f32 v36, v25;
	v22 =	vsub.f32 v38, v31  }
0x91: {  	v57 =	vld [tilespmem:$0x1FFB0];
	v25 =	vsub.f32 v44, v54;
	v36 =	vsub.f32 v50, v62  }
0x92: {  	v20 =	vld [tilespmem:s20+$0x80];
	v27 =	vadd.f32 v19, v17;
	v17 =	vadd.f32 v32, v28  }
0x93: {  	v31 =	vld [tilespmem:s20+$0xFFFFFF20];
	v28 =	vsub.f32 v18, v59;
	v32 =	vsub.f32 v21, v10  }
0x94: {  	v18 =	vsub.f32 v37, v29;
	v19 =	vadd.f32 v58, v46;
	v58 =	vld [tilespmem:$0x1FFC0]  }
0x95: {  	v5 =	vld [tilespmem:s20+$0x0];
	v10 =	vsub.f32 v39, v34;
	v21 =	vsub.f32 v41, v2  }
0x96: {  	v37 =	vsub.f32 v48, v61;
	v6 =	vsub.f32 v11, v57;
	v11 =	vld [tilespmem:s20+$0xFFFFFF30]  }
0x97: {  	v38 =	vld [tilespmem:s20+$0xFFFFFF00];
	v35 =	vsub.f32 v42, v7;
	v29 =	vsub.f32 v51, v20  }
0x98: {  	v39 =	vld [tilespmem:s20+$0xFFFFFF80];
	v34 =	vsub.f32 v1, v31;
	v31 =	vsub.f32 v53, v63  }
0x99: {  	s14 =	sshll.u32 s30, $0x4;
	v7 =	vld [tilespmem:s20+$0x10];
	v33 =	vsub.f32 v9, v58;
	v9 =	vsub.f32 v12, v60  }
0x9a: {  	s15 =	simm.s32 $0x3;
	s18 =	simm.s32 $0x7;
	s3 =	smov.u32 s20;
	v20 =	vld [tilespmem:s20+$0xF0];
	v12 =	vsub.f32 v23, v13;
	v13 =	vsub.f32 v40, v52  }
0x9b: {  	s16 =	smov.u32 s20;
	s31 =	smov.u32 s23;
	s1 =	smov.u32 s10;
	[tilespmem:$0x1FFA0] =	vst v0;
	v44 =	vimm.f32 $0.0e+00;
	v23 =	vsub.f32 v45, v43;
	v11 =	vsub.f32 v47, v11;
	v40 =	vld [tilespmem:s20+$0xFFFFFF90]  }
.LBB2_4:
0x9c: {  	v1 =	vld [tilespmem:s3+$0xFFFFFF10]  }
0x9d: {  	v60 =	vld [tilespmem:s3+$0xFFFFFF70]  }
0x9e: {  	v46 =	vld [tilespmem:$0x1FFA0]  }
0x9f: {  	s16 =	sadd.s32 $0x200, s16;
	v47 =	vld [tilespmem:$0x1FF90]  }
0xa0: {  	v0 =	vld [tilespmem:s16+$0x70]  }
0xa1: {  	v58 =	vld [tilespmem:s16+$0xFFFFFFF0]  }
0xa2: {  	v59 =	vld [tilespmem:s16+$0xE0]  }
0xa3: {  	s1 =	sadd.s32 $0x200, s1;
	v61 =	vld [tilespmem:s16+$0x60]  }
0xa4: {  	v63 =	vmul.f32 v22, v22;
	v22 =	vld [tilespmem:s1+$0x70]  }
0xa5: {  	s31 =	sadd.s32 $0x200, s31;
	v45 =	vmul.f32 v11, v11;
	v11 =	vld [tilespmem:s16+$0xD0]  }
0xa6: {  	v62 =	vmul.f32 v36, v36;
	v36 =	vld [tilespmem:s31+$0x50]  }
0xa7: {  	v57 =	vmul.f32 v6, v6;
	s11 =	sadd.s32 $0xFFFFFFFD, s15;
	v56 =	vld [tilespmem:s1+$0xA0]  }
0xa8: {  	s5 =	sadd.s32 $0xFFFFFFFF, s15;
	v53 =	vlaneseq.u32;
	v29 =	vmul.f32 v29, v29;
	v51 =	vmov s11;
	v6 =	vld [tilespmem:s31+$0x90]  }
0xa9: {  	v31 =	vmul.f32 v31, v31;
	v52 =	vmov s5;
	vm0 =	veq.s32 v51, v53;
	v51 =	vld [tilespmem:s31+$0x30]  }
0xaa: {  	s11 =	sadd.s32 $0xFFFFFFFE, s15;
	vm14 =	veq.s32 v52, v53;
	v52 =	vld [tilespmem:s1+$0x30]  }
0xab: {  	v54 =	vmov s11;
	v29 =	vadd.f32 v31, v29;
	v31 =	vmul.f32 v13, v13;
	v13 =	vld [tilespmem:s16+$0xFFFFFF60]  }
0xac: {  	vm13 =	veq.s32 v54, v53;
	v54 =	vld [tilespmem:s1+$0xFFFFFFB0]  }
0xad: {  	v38 =	vsub.f32 v15, v38;
	v15 =	vld [tilespmem:s31+$0xF0]  }
0xae: {  	v23 =	vmul.f32 v23, v23;
	v7 =	vsub.f32 v26, v7;
	v26 =	vsub.f32 v27, v39;
	v39 =	vld [tilespmem:s31+$0xFFFFFFD0]  }
0xaf: {  	v27 =	vsub.f32 v17, v40;
	v40 =	vld [tilespmem:s1+$0xC0]  }
0xb0: {  	v23 =	vadd.f32 v23, v29;
	v29 =	vld [tilespmem:s31+$0xFFFFFF70]  }
0xb1: {  	v3 =	vsub.f32 v47, v20;
	v20 =	vld [tilespmem:s16+$0xC0]  }
0xb2: {  	v24 =	vsub.f32 v24, v5;
	v4 =	vsub.f32 v46, v60;
	v46 =	vld [tilespmem:s1+$0xFFFFFFC0]  }
0xb3: {  	v47 =	vld [tilespmem:s31+$0xB0]  }
0xb4: {  	v60 =	vld [tilespmem:s1+$0x20];
	v17 =	vmul.f32 v24, v24  }
0xb5: {  	v1 =	vsub.f32 v19, v1;
	v24 =	vmul.f32 v7, v7;
	v7 =	vld [tilespmem:s1+$0xF0];
	v19 =	vmul.f32 v26, v26  }
0xb6: {  	v26 =	vmul.f32 v27, v27;
	v27 =	vmul.f32 v35, v35;
	v35 =	vld [tilespmem:s1+$0xFFFFFF60]  }
0xb7: {  	v42 =	vmul.f32 v38, v38;
	v38 =	vld [tilespmem:s31+$0xFFFFFF50]  }
0xb8: {  	[tilespmem:$0x1FF40] =	vst v58;
	v58 =	vld [tilespmem:s1+$0xFFFFFF30]  }
0xb9: {  	[tilespmem:$0x1FF70] =	vst v59;
	v59 =	vld [tilespmem:s31+$0x20]  }
0xba: {  	[tilespmem:$0x1FF60] =	vst v61;
	v61 =	vld [tilespmem:s31+$0xFFFFFFA0]  }
0xbb: {  	v23 =	vadd.f32 v31, v23;
	v31 =	vmul.f32 v16, v16;
	v16 =	vld [tilespmem:s16+$0x50]  }
0xbc: {  	v1 =	vmul.f32 v1, v1;
	v26 =	vadd.f32 v26, v19;
	v19 =	vld [tilespmem:s31+$0x70]  }
0xbd: {  	v37 =	vmul.f32 v37, v37;
	v24 =	vadd.f32 v24, v17;
	v17 =	vld [tilespmem:s31+$0x40]  }
0xbe: {  	v1 =	vadd.f32 v1, v42;
	v42 =	vld [tilespmem:s1+$0xFFFFFFD0]  }
0xbf: {  	v34 =	vmul.f32 v34, v34;
	v24 =	vadd.f32 v37, v24;
	v37 =	vld [tilespmem:s1+$0x50]  }
0xc0: {  	v26 =	vadd.f32 v62, v26;
	v62 =	vld [tilespmem:s1+$0xFFFFFFA0]  }
0xc1: {  	v1 =	vadd.f32 v34, v1;
	v34 =	vld [tilespmem:s31+$0xFFFFFF60]  }
0xc2: {  	v25 =	vmul.f32 v25, v25;
	v7 =	vadd.f32 v7, v15;
	v15 =	vld [tilespmem:s31+$0x10]  }
0xc3: {  	v24 =	vadd.f32 v27, v24;
	v27 =	vmul.f32 v10, v10;
	v10 =	vld [tilespmem:s16+$0xFFFFFFE0]  }
0xc4: {  	v25 =	vadd.f32 v25, v26;
	v26 =	vld [tilespmem:s1+$0xFFFFFFF0]  }
0xc5: {  	v1 =	vadd.f32 v45, v1;
	v45 =	vld [tilespmem:s31+$0xFFFFFFC0]  }
0xc6: {  	v43 =	vadd.f32 v63, v24;
	v24 =	vld [tilespmem:s31+$0xFFFFFFF0]  }
0xc7: {  	v30 =	vmul.f32 v30, v30;
	v21 =	vmul.f32 v21, v21;
	v25 =	vadd.f32 v27, v25;
	v27 =	vld [tilespmem:s31+$0xE0]  }
0xc8: {  	v28 =	vmul.f32 v28, v28;
	v41 =	vmul.f32 v8, v8;
	v63 =	vld [tilespmem:s31+$0x80]  }
0xc9: {  	v18 =	vmul.f32 v18, v18;
	v1 =	vadd.f32 v21, v1;
	v30 =	vadd.f32 v30, v43;
	v43 =	vld [tilespmem:s31+$0xC0]  }
0xca: {  	v32 =	vmul.f32 v32, v32;
	v25 =	vadd.f32 v41, v25;
	v41 =	vld [tilespmem:s1+$0xFFFFFF50]  }
0xcb: {  	v14 =	vmul.f32 v14, v14;
	v1 =	vadd.f32 v18, v1;
	v30 =	vadd.f32 v28, v30;
	v28 =	vld [tilespmem:s1+$0xE0]  }
0xcc: {  	v33 =	vmul.f32 v33, v33;
	v25 =	vadd.f32 v32, v25;
	v32 =	vld [tilespmem:s31+$0xD0]  }
0xcd: {  	v1 =	vadd.f32 v14, v1;
	v14 =	vld [tilespmem:s1+$0x60]  }
0xce: {  	v21 =	vadd.f32 v33, v30;
	v30 =	vld [tilespmem:s1+$0xFFFFFF70]  }
0xcf: {  	v33 =	vld [tilespmem:s1+$0xD0]  }
0xd0: {  	v18 =	vadd.f32 v57, v25;
	v25 =	vld [tilespmem:s16+$0xFFFFFFC0]  }
0xd1: {  	v57 =	vld [tilespmem:s31+$0xFFFFFF30]  }
0xd2: {  	(xrf2) =	vadd.scan.msk.f32 $0xffff, v21;
	v21 =	vadd.f32 v31, v23;
	v23 =	vmul.f32 v12, v12;
	v12 =	vld [tilespmem:s31+$0x60]  }
0xd3: {  	v31 =	vld [tilespmem:s1+$0xFFFFFFE0]  }
0xd4: {  	v4 =	vmul.f32 v4, v4;
	(xrf2) =	vadd.scan.msk.f32 $0xffff, v18;
	v18 =	vld [tilespmem:s16+$0xFFFFFFD0]  }
0xd5: {  	v22 =	vadd.f32 v22, v19;
	v8 =	vadd.f32 v28, v27;
	v28 =	vld [tilespmem:s31+$0xFFFFFF90]  }
0xd6: {  	v1 =	vadd.f32 v4, v1;
	v21 =	vadd.f32 v23, v21;
	v23 =	vmul.f32 v9, v9;
	v9 =	vld [tilespmem:s31+$0xFFFFFFE0]  }
0xd7: {  	v19 =	vadd.f32 v30, v29;
	v30 =	vadd.f32 v33, v32;
	v32 =	vld [tilespmem:s1+$0xFFFFFF90]  }
0xd8: {  	v33 =	vld [tilespmem:s31+$0xFFFFFF00]  }
0xd9: {  	(xrf2) =	vadd.scan.msk.f32 $0xffff, v1;
	v4 =	vadd.f32 v23, v21;
	v21 =	vld [tilespmem:s16+$0xFFFFFF50]  }
0xda: {  	v3 =	vmul.f32 v3, v3;
	v23 =	vld [tilespmem:s16+$0x40]  }
0xdb: {  	[tilespmem:$0x1FFA0] =	vst v19;
	v19 =	vld [tilespmem:s1+$0x10]  }
0xdc: {  	v12 =	vadd.f32 v14, v12;
	v14 =	vld [tilespmem:s31+$0xFFFFFF80];
	v48 =	vadd.f32 v3, v4;
	v4 =	vmov s15  }
0xdd: {  	vm15 =	veq.s32 v4, v53;
	v53 =	vld [tilespmem:s31+$0xFFFFFFB0]  }
0xde: {  	v29 =	vadd.f32 v31, v9;
	v9 =	vld [tilespmem:s1+$0xFFFFFF80]  }
0xdf: {  	v4 =	vld [tilespmem:s31+$0xFFFFFF20]  }
0xe0: {  	v31 =	vadd.f32 v35, v34;
	(xrf2) =	vadd.scan.msk.f32 $0xffff, v48;
	v48 =	vld [tilespmem:s1+$0xB0]  }
0xe1: {  	v34 =	vadd.f32 v37, v36;
	v37 =	vadd.f32 v41, v38;
	v41 =	vld [tilespmem:s1+$0xFFFFFF00];
	v49, _, _ =	vpop (xrf2)  }
0xe2: {  	v3, _, _ =	vpop (xrf2);
	v1 =	vbroadcast v49, $0xF;
	v49 =	vld [tilespmem:s31+$0xFFFFFF40]  }
0xe3: {  	v50, _, _ =	vpop (xrf2);
	v27 =	vadd.f32 v9, v14;
	v14 =	vsub.f32 v31, v13;
	v31 =	vld [tilespmem:s16+$0x90]  }
0xe4: {  	v5 =	vbroadcast v50, $0xF;
	v50 =	vld [tilespmem:s1+$0xFFFFFF40]  }
0xe5: {  	v36 =	vadd.f32 v40, v43;
	v40 =	vadd.f32 v48, v47;
	v47 =	vld [tilespmem:s1+$0xFFFFFF10]  }
0xe6: {  	v3 =	vbroadcast v3, $0xF;
	v2 =	vsel vm0, v5, v44;
	v5 =	vld [tilespmem:s1+$0x90]  }
0xe7: {  	v48 =	vadd.f32 v58, v57;
	v58 =	vld [tilespmem:s16+$0x30]  }
0xe8: {  	v44 =	vld [tilespmem:s1+$0x40];
	v2 =	vsel vm13, v3, v2  }
0xe9: {  	v35 =	vadd.f32 v42, v39;
	v1 =	vsel vm14, v1, v2;
	v2 =	vld [tilespmem:s31+$0x0]  }
0xea: {  	v42 =	vadd.f32 v50, v49;
	v49 =	vadd.f32 v60, v59;
	v59 =	vld [tilespmem:s16+$0xFFFFFFB0]  }
0xeb: {  	v57 =	vadd.f32 v5, v6;
	v5 =	vld [tilespmem:$0x1FF40]  }
0xec: {  	v60 =	vld [tilespmem:s16+$0xA0]  }
0xed: {  	v55, _, _ =	vpop (xrf2);
	v50 =	vadd.f32 v62, v61;
	v61 =	vld [tilespmem:s16+$0xFFFFFF30]  }
0xee: {  	[tilespmem:$0x1FF90] =	vst v7;
	v7 =	vadd.f32 v26, v24;
	v3 =	vbroadcast v55, $0xF;
	v55 =	vld [tilespmem:s31+$0xA0]  }
0xef: {  	[tilespmem:$0x1FF50] =	vst v0;
	v38 =	vadd.f32 v44, v17;
	v44 =	vld [tilespmem:s31+$0xFFFFFF10]  }
0xf0: {  	v6 =	vsub.f32 v7, v5;
	v5 =	vld [tilespmem:$0x1FF50]  }
0xf1: {  	v17 =	vadd.f32 v32, v28;
	v32 =	vsub.f32 v29, v10;
	v29 =	vld [tilespmem:s16+$0x80]  }
0xf2: {  	v0 =	vsel vm15, v3, v1;
	v3 =	vld [tilespmem:s1+$0x80]  }
0xf3: {  	v39 =	vadd.f32 v46, v45;
	v1 =	vld [tilespmem:s1+$0x0]  }
0xf4: {  	v43 =	vadd.f32 v52, v51;
	v26 =	vadd.f32 v19, v15;
	[tilespmem:$0x1FF80] =	vst v0;
	v0 =	vld [tilespmem:s1+$0xFFFFFF20]  }
0xf5: {  	v15 =	vadd.f32 v41, v33;
	v33 =	vsub.f32 v22, v5;
	v5 =	vld [tilespmem:$0x1FF60]  }
0xf6: {  	v45 =	vadd.f32 v54, v53;
	v46 =	vadd.f32 v56, v55;
	v56 =	vld [tilespmem:s16+$0xB0]  }
0xf7: {  	v62 =	vld [tilespmem:s16+$0x20];
	v10 =	vsub.f32 v39, v25;
	v31 =	vsub.f32 v57, v31  }
0xf8: {  	v39 =	vld [tilespmem:s16+$0xFFFFFF80];
	v25 =	vsub.f32 v45, v59;
	v19 =	vadd.f32 v47, v44  }
0xf9: {  	v3 =	vadd.f32 v3, v63;
	v24 =	vadd.f32 v1, v2;
	v63 =	vld [tilespmem:s16+$0xFFFFFFA0]  }
0xfa: {  	v0 =	vadd.f32 v0, v4;
	v28 =	vsub.f32 v12, v5;
	v5 =	vld [tilespmem:$0x1FF70]  }
0xfb: {  	v7 =	vld [tilespmem:s16+$0x10];
	v29 =	vsub.f32 v3, v29;
	v13 =	vsub.f32 v40, v56  }
0xfc: {  	v4 =	vld [tilespmem:s16+$0xFFFFFF40];
	v22 =	vsub.f32 v38, v23;
	v12 =	vsub.f32 v30, v11  }
0xfd: {  	p0 =	sne.s32 s18, $0xF;
	v30 =	vsub.f32 v34, v16;
	v16 =	vsub.f32 v36, v20;
	v20 =	vld [tilespmem:s16+$0xFFFFFF20]  }
.Ltmp2:
0xfe: {  	v44 =	vld [tilespmem:$0x1FF80];
	v23 =	vsub.f32 v46, v60;
	v11 =	vsub.f32 v48, v61;
	(pc) =	sbr.rel @p0 .LBB2_4-.Ltmp2, $4  }
0xff: {  	v40 =	vld [tilespmem:s16+$0xFFFFFF90];
	v36 =	vsub.f32 v50, v63;
	v9 =	vsub.f32 v8, v5  }
0x100: {  	v38 =	vld [tilespmem:s16+$0xFFFFFF00];
	v8 =	vsub.f32 v35, v18;
	v18 =	vsub.f32 v37, v21  }
0x101: {  	v5 =	vld [tilespmem:s16+$0x0];
	v21 =	vsub.f32 v42, v4;
	v35 =	vsub.f32 v43, v58  }
0x102: {  	s3 =	smov.u32 s16;
	s15 =	smov.u32 s18;
	s18 =	sadd.s32 $0x4, s18;
	v37 =	vsub.f32 v49, v62;
	v34 =	vsub.f32 v0, v20;
	v20 =	vld [tilespmem:s16+$0xF0]  }
0x103: {  	v4 =	vmul.f32 v6, v6  }
0x104: {  	v54 =	vmul.f32 v33, v33;
	v57 =	vmul.f32 v32, v32  }
0x105: {  	v0 =	vld [tilespmem:s3+$0xFFFFFF10];
	v58 =	vmul.f32 v28, v28;
	v60 =	vmul.f32 v30, v30  }
0x106: {  	v2 =	vsub.f32 v26, v7;
	v61 =	vmul.f32 v35, v35;
	v62 =	vmul.f32 v36, v36  }
0x107: {  	v3 =	vsub.f32 v27, v39;
	v63 =	vmul.f32 v22, v22;
	v26 =	vmul.f32 v25, v25  }
0x108: {  	v27 =	vmul.f32 v10, v10;
	v30 =	vmul.f32 v29, v29;
	v46 =	vld [tilespmem:$0x1FF90];
	v1 =	vsub.f32 v24, v5  }
0x109: {  	v55 =	vsub.f32 v17, v40;
	v59 =	vmul.f32 v37, v37;
	v2 =	vmul.f32 v2, v2  }
0x10a: {  	v56 =	vsub.f32 v15, v38;
	v1 =	vmul.f32 v1, v1;
	v0 =	vsub.f32 v19, v0  }
0x10b: {  	v3 =	vmul.f32 v3, v3;
	v6 =	vmul.f32 v55, v55  }
0x10c: {  	v7 =	vmul.f32 v56, v56;
	v1 =	vadd.f32 v2, v1;
	v0 =	vmul.f32 v0, v0  }
0x10d: {  	v32 =	vmul.f32 v31, v31;
	v3 =	vadd.f32 v6, v3;
	v6 =	vsub.f32 v46, v20  }
0x10e: {  	v28 =	vmul.f32 v34, v34;
	v1 =	vadd.f32 v59, v1;
	v0 =	vadd.f32 v0, v7  }
0x10f: {  	v35 =	vmul.f32 v23, v23;
	v41 =	vld [tilespmem:$0x1FFA0];
	v22 =	vadd.f32 v62, v3;
	v3 =	vadd.f32 v32, v30  }
0x110: {  	v33 =	vmul.f32 v11, v11;
	v34 =	vld [tilespmem:s3+$0xFFFFFF70];
	v1 =	vadd.f32 v61, v1;
	v0 =	vadd.f32 v28, v0  }
0x111: {  	v37 =	vmul.f32 v13, v13;
	v2 =	vadd.f32 v26, v22;
	v3 =	vadd.f32 v35, v3  }
0x112: {  	v36 =	vmul.f32 v21, v21;
	v1 =	vadd.f32 v63, v1;
	v0 =	vadd.f32 v33, v0  }
0x113: {  	v8 =	vmul.f32 v8, v8;
	v2 =	vadd.f32 v27, v2;
	v3 =	vadd.f32 v37, v3  }
0x114: {  	v38 =	vmul.f32 v18, v18;
	v1 =	vadd.f32 v60, v1;
	v0 =	vadd.f32 v36, v0  }
0x115: {  	v39 =	vmul.f32 v16, v16;
	v2 =	vadd.f32 v8, v2;
	v8 =	vsub.f32 v41, v34  }
0x116: {  	v40 =	vmul.f32 v14, v14;
	v1 =	vadd.f32 v58, v1;
	v0 =	vadd.f32 v38, v0  }
0x117: {  	v42 =	vmul.f32 v12, v12;
	v3 =	vadd.f32 v39, v3;
	v2 =	vadd.f32 v57, v2  }
0x118: {  	v43 =	vmul.f32 v8, v8;
	v1 =	vadd.f32 v54, v1;
	v0 =	vadd.f32 v40, v0  }
0x119: {  	v45 =	vmul.f32 v9, v9;
	v3 =	vadd.f32 v42, v3;
	v2 =	vadd.f32 v4, v2  }
0x11a: {  	(xrf2) =	vadd.scan.msk.f32 $0xffff, v1;
	v0 =	vadd.f32 v43, v0  }
0x11b: {  	v48 =	vmul.f32 v6, v6;
	v47 =	vadd.f32 v45, v3;
	(xrf2) =	vadd.scan.msk.f32 $0xffff, v2  }
0x11c: {  	(xrf2) =	vadd.scan.msk.f32 $0xffff, v0  }
0x11d: {  	v49 =	vadd.f32 v48, v47;
	_ =	sdelay $0x1  }
0x11e: {  	(xrf2) =	vadd.scan.msk.f32 $0xffff, v49;
	_ =	sdelay $0x4  }
0x11f: {  	v50, _, _ =	vpop (xrf2)  }
0x120: {  	s18 =	sadd.s32 $0xFFFFFFFF, s15;
	v51, _, _ =	vpop (xrf2)  }
0x121: {  	s1 =	sadd.s32 $0xFFFFFFFD, s15;
	v52 =	vmov s15;
	v55 =	vmov s18;
	v53, _, _ =	vpop (xrf2)  }
0x122: {  	s31 =	sadd.s32 $0xFFFFFFFE, s15;
	v56 =	vlaneseq.u32;
	v54 =	vmov s1;
	v3 =	vbroadcast v53, $0xF  }
0x123: {  	v57 =	vmov s31;
	vm0 =	veq.s32 v54, v56;
	v1 =	vbroadcast v51, $0xF  }
0x124: {  	vm13 =	veq.s32 v57, v56;
	v0 =	vbroadcast v50, $0xF;
	v58, _, _ =	vpop (xrf2);
	v3 =	vsel vm0, v3, v44  }
0x125: {  	vm14 =	veq.s32 v55, v56;
	v59 =	vbroadcast v58, $0xF;
	v1 =	vsel vm13, v1, v3  }
0x126: {  	vm15 =	veq.s32 v52, v56;
	v0 =	vsel vm14, v0, v1  }
0x127: {  	v0 =	vsel vm15, v59, v0  }
0x128: {  	v0 =	vmax.f32 v0, $1.000000000e-30  }
0x129: {  	v60 =	vshrl.u32 v0, $0x1;
	v61 =	vmul.f32 $5.000000000e-01, v0  }
0x12a: {  	v1 =	vsub.s32 $0x5F3759DF, v60  }
0x12b: {  	v62 =	vmul.f32 v1, v61;
	_ =	sdelay $0x1  }
0x12c: {  	v3 =	vmul.f32 v1, v62;
	_ =	sdelay $0x1  }
0x12d: {  	v3 =	vsub.f32 $1.500000000e+00, v3;
	_ =	sdelay $0x1  }
0x12e: {  	v1 =	vmul.f32 v1, v3;
	_ =	sdelay $0x1  }
0x12f: {  	v3 =	vmul.f32 v1, v61;
	_ =	sdelay $0x1  }
0x130: {  	v3 =	vmul.f32 v3, v1;
	_ =	sdelay $0x1  }
0x131: {  	v3 =	vsub.f32 $1.500000000e+00, v3;
	_ =	sdelay $0x1  }
0x132: {  	v1 =	vmul.f32 v3, v1;
	_ =	sdelay $0x1  }
0x133: {  	v2 =	vmul.f32 v1, v61;
	_ =	sdelay $0x1  }
0x134: {  	v2 =	vmul.f32 v2, v1;
	_ =	sdelay $0x1  }
0x135: {  	v63 =	vld [tilespmem:$0x1FFF0];
	v2 =	vsub.f32 $1.500000000e+00, v2;
	_ =	sdelay $0x1  }
0x136: {  	s30 =	sadd.s32 $0x1, s30;
	v1 =	vmul.f32 v2, v1  }
0x137: {  	p0 =	sne.s32 s30, $0x4  }
.Ltmp3:
0x138: {  	v0 =	vmul.f32 v1, v0;
	(pc) =	sbr.rel @p0 .LBB2_3-.Ltmp3, $3  }
0x139: {  	_ = 	snop  }
0x13a: {  	v0 =	vsub.f32 $0.0e+00, v0;
	_ =	sdelay $0x1  }
0x13b: {  	s23 =	sadd.s32 $0x800, s23;
	s10 =	sadd.s32 $0x800, s10;
	s20 =	sadd.s32 $0x800, s20;
	[tilespmem:v63+s14+$0x0 ss:$0x1] =	vst.idx.msk $0xffff, v0  }
0x13c: {  	p0 =	seq.s32 s26, $0x3  }
0x13d: {  	s1 =	sshll.u32 @!p0 s26, $0x7  }
0x13e: {  	s5 =	simm.s32 @!p0 $0x40;
	s10 =	simm.s32 @!p0 $0x600;
	s3 =	sadd.s32 @!p0 $0x80, s1  }
0x13f: {  	[tilespmem:s10], [sflag:$0x1] =	stream.indirect.gather @!p0 [hbm4b:s0+s5], $0x80, s3, s5, $0xb8;
	[tilespmem:$0xC800] =	vst v63  }
0x140: {  	s3 =	sadd.s32 @!p0 $0x280, s1;
	s10 =	simm.s32 @!p0 $0x4600  }
0x141: {  	[tilespmem:s10], [sflag:$0x1] =	stream.indirect.gather @!p0 [hbm4b:s2+s5], $0x80, s3, s5, $0xb8;
	[tilespmem:$0xC800] =	vst v63  }
0x142: {  	s1 =	sadd.s32 @!p0 $0x480, s1;
	s3 =	simm.s32 @!p0 $0x8600  }
0x143: {  	[tilespmem:s3], [sflag:$0x1] =	stream.indirect.gather @!p0 [hbm4b:s0+s5], $0x80, s1, s5, $0xb8;
	[tilespmem:$0xC800] =	vst v63  }
0x144: {  	_ =	swait.ge [sflag:s22], $0x2000  }
0x145: {  	[sflag:s22] =	ssyncset.done $0x0  }
0x146: {  	[sflag:s22] =	ssyncadd.s32 $0xFFFFE000  }
0x147: {  	_ =	swait.ge [sflag:s22], $0x2000  }
0x148: {  	[sflag:s22] =	ssyncset.done $0x0  }
0x149: {  	[sflag:s22] =	ssyncadd.s32 $0xFFFFE000  }
0x14a: {  	s31 =	sadd.s32 $0xC640, s29;
	_ =	swait.ge [sflag:s22], $0x2000  }
0x14b: {  	s29 =	simm.s32 $0x0;
	s30 =	simm.s32 $0x2700;
	v0 =	vmov s31;
	[sflag:s22] =	ssyncset.done $0x0  }
0x14c: {  	s1 =	simm.s32 $0x6700;
	s3 =	simm.s32 $0xA700;
	[tilespmem:$0x1FF30] =	vst v0;
	[sflag:s22] =	ssyncadd.s32 $0xFFFFE000  }
.LBB2_7:
0x14d: {  	v0 =	vld [tilespmem:s3+$0x70]  }
0x14e: {  	v5 =	vld [tilespmem:s3+$0xFFFFFFF0]  }
0x14f: {  	v56 =	vld [tilespmem:s3+$0xE0]  }
0x150: {  	v3 =	vld [tilespmem:s30+$0xF0]  }
0x151: {  	v4 =	vld [tilespmem:s1+$0xF0]  }
0x152: {  	v7 =	vld [tilespmem:s3+$0x60]  }
0x153: {  	v6 =	vld [tilespmem:s30+$0x70]  }
0x154: {  	v8 =	vld [tilespmem:s1+$0x70]  }
0x155: {  	v10 =	vld [tilespmem:s3+$0xFFFFFFE0]  }
0x156: {  	v9 =	vld [tilespmem:s30+$0xFFFFFFF0]  }
0x157: {  	v11 =	vld [tilespmem:s1+$0xFFFFFFF0]  }
0x158: {  	v12 =	vld [tilespmem:s3+$0xD0]  }
0x159: {  	v13 =	vld [tilespmem:s30+$0xE0]  }
0x15a: {  	v14 =	vld [tilespmem:s1+$0xE0]  }
0x15b: {  	v16 =	vld [tilespmem:s3+$0xFFFFFF60]  }
0x15c: {  	v15 =	vld [tilespmem:s30+$0xFFFFFF70]  }
0x15d: {  	v17 =	vld [tilespmem:s1+$0xFFFFFF70]  }
0x15e: {  	v18 =	vld [tilespmem:s3+$0x50]  }
0x15f: {  	v19 =	vld [tilespmem:s30+$0x60]  }
0x160: {  	v20 =	vld [tilespmem:s1+$0x60]  }
0x161: {  	v21 =	vld [tilespmem:s3+$0xFFFFFFD0]  }
0x162: {  	v22 =	vld [tilespmem:s30+$0xFFFFFFE0]  }
0x163: {  	v23 =	vld [tilespmem:s1+$0xFFFFFFE0]  }
0x164: {  	v25 =	vld [tilespmem:s3+$0xC0]  }
0x165: {  	v24 =	vld [tilespmem:s30+$0xD0]  }
0x166: {  	v26 =	vld [tilespmem:s1+$0xD0]  }
0x167: {  	v29 =	vld [tilespmem:s3+$0xFFFFFF50]  }
0x168: {  	v27 =	vld [tilespmem:s30+$0xFFFFFF60]  }
0x169: {  	v28 =	vld [tilespmem:s1+$0xFFFFFF60]  }
0x16a: {  	v31 =	vld [tilespmem:s3+$0x40]  }
0x16b: {  	v30 =	vld [tilespmem:s30+$0x50]  }
0x16c: {  	v32 =	vld [tilespmem:s1+$0x50]  }
0x16d: {  	v34 =	vld [tilespmem:s3+$0xFFFFFFC0]  }
0x16e: {  	v33 =	vld [tilespmem:s30+$0xFFFFFFD0]  }
0x16f: {  	v35 =	vld [tilespmem:s1+$0xFFFFFFD0]  }
0x170: {  	v36 =	vld [tilespmem:s30+$0xC0]  }
0x171: {  	v37 =	vld [tilespmem:s1+$0xC0]  }
0x172: {  	v38 =	vld [tilespmem:s30+$0xFFFFFF50]  }
0x173: {  	v39 =	vld [tilespmem:s1+$0xFFFFFF50]  }
0x174: {  	v40 =	vld [tilespmem:s30+$0x40]  }
0x175: {  	v41 =	vld [tilespmem:s1+$0x40]  }
0x176: {  	v42 =	vld [tilespmem:s30+$0xFFFFFFC0]  }
0x177: {  	v43 =	vld [tilespmem:s1+$0xFFFFFFC0]  }
0x178: {  	v44 =	vld [tilespmem:s30+$0xB0]  }
0x179: {  	v45 =	vld [tilespmem:s1+$0xB0]  }
0x17a: {  	v46 =	vld [tilespmem:s30+$0xFFFFFF40]  }
0x17b: {  	v47 =	vld [tilespmem:s1+$0xFFFFFF40]  }
0x17c: {  	v48 =	vld [tilespmem:s30+$0x30]  }
0x17d: {  	v49 =	vld [tilespmem:s1+$0x30]  }
0x17e: {  	v50 =	vld [tilespmem:s30+$0xFFFFFFB0]  }
0x17f: {  	v51 =	vld [tilespmem:s1+$0xFFFFFFB0]  }
0x180: {  	v52 =	vld [tilespmem:s30+$0xA0]  }
0x181: {  	v53 =	vld [tilespmem:s1+$0xA0]  }
0x182: {  	v54 =	vld [tilespmem:s30+$0xFFFFFF30]  }
0x183: {  	v55 =	vld [tilespmem:s1+$0xFFFFFF30]  }
0x184: {  	v57 =	vld [tilespmem:s1+$0x20]  }
0x185: {  	v58 =	vld [tilespmem:s30+$0xFFFFFFA0]  }
0x186: {  	v59 =	vld [tilespmem:s1+$0xFFFFFFA0]  }
0x187: {  	v60 =	vld [tilespmem:s30+$0x80]  }
0x188: {  	v61 =	vld [tilespmem:s1+$0x80]  }
0x189: {  	v62 =	vld [tilespmem:s30+$0x90]  }
0x18a: {  	v63 =	vld [tilespmem:s1+$0x90]  }
0x18b: {  	v1 =	vld [tilespmem:s30+$0xFFFFFF20]  }
0x18c: {  	v2 =	vld [tilespmem:s30+$0x0]  }
0x18d: {  	[tilespmem:$0x1FF20] =	vst v56;
	v56 =	vld [tilespmem:s30+$0x20]  }
0x18e: {  	[tilespmem:$0x1FF10] =	vst v0;
	v0 =	vld [tilespmem:s1+$0xFFFFFF20]  }
0x18f: {  	v8 =	vadd.f32 v8, v6;
	v6 =	vld [tilespmem:s1+$0x0]  }
0x190: {  	v9 =	vadd.f32 v11, v9;
	v11 =	vadd.f32 v14, v13;
	v13 =	vld [tilespmem:s30+$0x10]  }
0x191: {  	v14 =	vadd.f32 v20, v19;
	v19 =	vld [tilespmem:s1+$0xFFFFFF80]  }
0x192: {  	v20 =	vadd.f32 v23, v22;
	v23 =	vadd.f32 v28, v27;
	v28 =	vld [tilespmem:s30+$0xFFFFFF90]  }
0x193: {  	v30 =	vadd.f32 v32, v30;
	v32 =	vld [tilespmem:s1+$0xFFFFFF90]  }
0x194: {  	v35 =	vadd.f32 v35, v33;
	v36 =	vadd.f32 v37, v36;
	v33 =	vld [tilespmem:s30+$0xFFFFFF00]  }
0x195: {  	v37 =	vadd.f32 v39, v38;
	v39 =	vadd.f32 v43, v42;
	v43 =	vld [tilespmem:s1+$0xFFFFFF00]  }
0x196: {  	v38 =	vadd.f32 v41, v40;
	v41 =	vadd.f32 v47, v46;
	v46 =	vld [tilespmem:s30+$0xFFFFFF10]  }
0x197: {  	v40 =	vadd.f32 v45, v44;
	v45 =	vadd.f32 v53, v52;
	v52 =	vld [tilespmem:s3+$0xB0]  }
0x198: {  	v3 =	vadd.f32 v4, v3;
	v53 =	vld [tilespmem:s3+$0xFFFFFF40]  }
0x199: {  	v22 =	vadd.f32 v26, v24;
	v47 =	vadd.f32 v55, v54;
	v54 =	vld [tilespmem:s3+$0xFFFFFFB0]  }
0x19a: {  	v44 =	vadd.f32 v51, v50;
	v51 =	vadd.f32 v61, v60;
	v60 =	vld [tilespmem:s3+$0xFFFFFF30]  }
0x19b: {  	v42 =	vadd.f32 v49, v48;
	[tilespmem:$0x1FEF0] =	vst v3;
	v3 =	vadd.f32 v17, v15;
	v15 =	vld [tilespmem:s1+$0x10]  }
0x19c: {  	v50 =	vadd.f32 v59, v58;
	v17 =	vld [tilespmem:s30+$0xFFFFFF80];
	v12 =	vsub.f32 v22, v12  }
0x19d: {  	v61 =	vld [tilespmem:s3+$0x20];
	v30 =	vsub.f32 v30, v18;
	v18 =	vsub.f32 v37, v29  }
0x19e: {  	v22 =	vsub.f32 v38, v31;
	v31 =	vld [tilespmem:s3+$0xFFFFFF20];
	v48 =	vadd.f32 v57, v56  }
0x19f: {  	v38 =	vld [tilespmem:s3+$0xFFFFFF00];
	v0 =	vadd.f32 v0, v1;
	v1 =	vadd.f32 v63, v62  }
0x1a0: {  	[tilespmem:$0x1FF00] =	vst v3;
	v3 =	vld [tilespmem:$0x1FF10];
	v24 =	vadd.f32 v6, v2;
	v6 =	vsub.f32 v9, v5  }
0x1a1: {  	v57 =	vld [tilespmem:s1+$0xFFFFFF10];
	v26 =	vadd.f32 v15, v13;
	v27 =	vadd.f32 v19, v17  }
0x1a2: {  	v2 =	vld [tilespmem:s3+$0x30];
	v17 =	vadd.f32 v32, v28;
	v15 =	vadd.f32 v43, v33  }
0x1a3: {  	v62 =	vld [tilespmem:s3+$0x80];
	v28 =	vsub.f32 v14, v7;
	v32 =	vsub.f32 v20, v10  }
0x1a4: {  	v63 =	vld [tilespmem:s3+$0x90];
	v14 =	vsub.f32 v23, v16;
	v16 =	vsub.f32 v36, v25  }
0x1a5: {  	v43 =	vld [tilespmem:s3+$0xA0];
	v10 =	vsub.f32 v39, v34;
	v13 =	vsub.f32 v40, v52  }
0x1a6: {  	v20 =	vld [tilespmem:s3+$0xFFFFFFA0];
	v25 =	vsub.f32 v44, v54;
	v37 =	vsub.f32 v48, v61  }
0x1a7: {  	v34 =	vsub.f32 v0, v31;
	v33 =	vsub.f32 v8, v3;
	v3 =	vld [tilespmem:$0x1FF20]  }
0x1a8: {  	v5 =	vld [tilespmem:s3+$0x0];
	v8 =	vsub.f32 v35, v21;
	v21 =	vsub.f32 v41, v53  }
0x1a9: {  	v7 =	vld [tilespmem:s3+$0x10];
	v19 =	vadd.f32 v57, v46;
	v35 =	vsub.f32 v42, v2  }
0x1aa: {  	s14 =	sshll.u32 s29, $0x4;
	v39 =	vld [tilespmem:s3+$0xFFFFFF80];
	v29 =	vsub.f32 v51, v62;
	v31 =	vsub.f32 v1, v63  }
0x1ab: {  	s15 =	simm.s32 $0x3;
	s18 =	simm.s32 $0x7;
	s16 =	smov.u32 s3;
	v40 =	vld [tilespmem:s3+$0xFFFFFF90];
	v23 =	vsub.f32 v45, v43;
	v36 =	vsub.f32 v50, v20  }
0x1ac: {  	s20 =	smov.u32 s3;
	s23 =	smov.u32 s30;
	s10 =	smov.u32 s1;
	v43 =	vimm.f32 $0.0e+00;
	v20 =	vld [tilespmem:s3+$0xF0];
	v9 =	vsub.f32 v11, v3;
	v11 =	vsub.f32 v47, v60  }
.LBB2_8:
0x1ad: {  	v0 =	vld [tilespmem:s16+$0xFFFFFF10]  }
0x1ae: {  	v58 =	vld [tilespmem:s16+$0xFFFFFF70]  }
0x1af: {  	v42 =	vld [tilespmem:$0x1FF00]  }
0x1b0: {  	s20 =	sadd.s32 $0x200, s20;
	v45 =	vld [tilespmem:$0x1FEF0]  }
0x1b1: {  	v2 =	vld [tilespmem:s20+$0x70]  }
0x1b2: {  	v56 =	vld [tilespmem:s20+$0xFFFFFFF0]  }
0x1b3: {  	s23 =	sadd.s32 $0x200, s23;
	v57 =	vld [tilespmem:s20+$0xE0]  }
0x1b4: {  	v55 =	vmul.f32 v6, v6;
	v6 =	vld [tilespmem:s23+$0xF0]  }
0x1b5: {  	s10 =	sadd.s32 $0x200, s10;
	v60 =	vld [tilespmem:s20+$0x60]  }
0x1b6: {  	v62 =	vmul.f32 v22, v22;
	v22 =	vld [tilespmem:s10+$0x70]  }
0x1b7: {  	v63 =	vmul.f32 v10, v10;
	v10 =	vld [tilespmem:s20+$0xD0]  }
0x1b8: {  	s5 =	sadd.s32 $0xFFFFFFFD, s15;
	v59 =	vmul.f32 v8, v8;
	v8 =	vld [tilespmem:s23+$0xD0]  }
0x1b9: {  	s11 =	sadd.s32 $0xFFFFFFFF, s15;
	v51 =	vlaneseq.u32;
	v61 =	vmul.f32 v36, v36;
	v36 =	vld [tilespmem:s10+$0x50];
	v49 =	vmov s5  }
0x1ba: {  	s31 =	sadd.s32 $0xFFFFFFFE, s15;
	v29 =	vmul.f32 v29, v29;
	v50 =	vmov s11;
	vm0 =	veq.s32 v49, v51;
	v49 =	vld [tilespmem:s10+$0xFFFFFF40]  }
0x1bb: {  	v31 =	vmul.f32 v31, v31;
	v52 =	vmov s31;
	vm14 =	veq.s32 v50, v51;
	v50 =	vld [tilespmem:s23+$0x30]  }
0x1bc: {  	vm13 =	veq.s32 v52, v51;
	v52 =	vld [tilespmem:s23+$0xFFFFFFB0]  }
0x1bd: {  	v29 =	vadd.f32 v31, v29;
	v31 =	vld [tilespmem:s10+$0xFFFFFFE0];
	v1 =	vsub.f32 v24, v5  }
0x1be: {  	v24 =	vsub.f32 v27, v39;
	v27 =	vsub.f32 v15, v38;
	v38 =	vld [tilespmem:s23+$0xFFFFFFD0]  }
0x1bf: {  	v39 =	vld [tilespmem:s10+$0xC0]  }
0x1c0: {  	v23 =	vmul.f32 v23, v23;
	v7 =	vsub.f32 v26, v7;
	v26 =	vsub.f32 v17, v40;
	v40 =	vld [tilespmem:s10+$0xFFFFFF50]  }
0x1c1: {  	v15 =	vld [tilespmem:s23+$0x40]  }
0x1c2: {  	v23 =	vadd.f32 v23, v29;
	v29 =	vld [tilespmem:s23+$0xFFFFFF70]  }
0x1c3: {  	v3 =	vsub.f32 v45, v20;
	v20 =	vld [tilespmem:s20+$0xC0]  }
0x1c4: {  	v4 =	vsub.f32 v42, v58;
	v42 =	vld [tilespmem:s23+$0xC0]  }
0x1c5: {  	v45 =	vld [tilespmem:s10+$0xFFFFFFC0]  }
0x1c6: {  	v0 =	vsub.f32 v19, v0;
	v58 =	vld [tilespmem:s23+$0x20];
	v19 =	vmul.f32 v24, v24  }
0x1c7: {  	v24 =	vmul.f32 v26, v26;
	v26 =	vmul.f32 v35, v35;
	v35 =	vld [tilespmem:s23+$0x50]  }
0x1c8: {  	[tilespmem:$0x1FEA0] =	vst v56;
	v56 =	vld [tilespmem:s23+$0xFFFFFF30]  }
0x1c9: {  	v1 =	vmul.f32 v1, v1;
	v17 =	vmul.f32 v7, v7;
	[tilespmem:$0x1FED0] =	vst v57;
	v57 =	vld [tilespmem:s10+$0xFFFFFF30]  }
0x1ca: {  	[tilespmem:$0x1FEC0] =	vst v60;
	v60 =	vld [tilespmem:s23+$0xFFFFFFA0]  }
0x1cb: {  	v27 =	vmul.f32 v27, v27;
	v0 =	vmul.f32 v0, v0;
	v1 =	vadd.f32 v17, v1;
	v17 =	vld [tilespmem:s10+$0xF0]  }
0x1cc: {  	v37 =	vmul.f32 v37, v37;
	v24 =	vadd.f32 v24, v19;
	v19 =	vld [tilespmem:s23+$0x70]  }
0x1cd: {  	v0 =	vadd.f32 v0, v27;
	v27 =	vmul.f32 v34, v34;
	v34 =	vld [tilespmem:s10+$0xFFFFFF60]  }
0x1ce: {  	v1 =	vadd.f32 v37, v1;
	v37 =	vld [tilespmem:s20+$0xFFFFFFE0]  }
0x1cf: {  	v0 =	vadd.f32 v27, v0;
	v27 =	vld [tilespmem:s23+$0xE0]  }
0x1d0: {  	v41 =	vmul.f32 v11, v11;
	v1 =	vadd.f32 v26, v1;
	v26 =	vadd.f32 v61, v24;
	v24 =	vld [tilespmem:s23+$0xFFFFFFF0]  }
0x1d1: {  	v25 =	vmul.f32 v25, v25;
	v61 =	vld [tilespmem:s10+$0xFFFFFFA0]  }
0x1d2: {  	v0 =	vadd.f32 v41, v0;
	v41 =	vld [tilespmem:s10+$0xFFFFFFD0]  }
0x1d3: {  	v6 =	vadd.f32 v17, v6;
	v17 =	vld [tilespmem:s23+$0x10];
	v25 =	vadd.f32 v25, v26  }
0x1d4: {  	v30 =	vmul.f32 v30, v30;
	v1 =	vadd.f32 v62, v1;
	v26 =	vld [tilespmem:s10+$0xFFFFFFF0]  }
0x1d5: {  	v62 =	vld [tilespmem:s23+$0x80];
	v25 =	vadd.f32 v63, v25  }
0x1d6: {  	v28 =	vmul.f32 v28, v28;
	v21 =	vmul.f32 v21, v21;
	[tilespmem:$0x1FEE0] =	vst v37;
	v37 =	vld [tilespmem:s23+$0xFFFFFF50];
	v1 =	vadd.f32 v30, v1  }
0x1d7: {  	v32 =	vmul.f32 v32, v32;
	v30 =	vmul.f32 v13, v13;
	v13 =	vld [tilespmem:s20+$0xFFFFFF60];
	v25 =	vadd.f32 v59, v25  }
0x1d8: {  	v18 =	vmul.f32 v18, v18;
	v0 =	vadd.f32 v21, v0;
	v63 =	vld [tilespmem:s10+$0x80];
	v1 =	vadd.f32 v28, v1  }
0x1d9: {  	v28 =	vld [tilespmem:s10+$0xE0];
	v23 =	vadd.f32 v30, v23;
	v21 =	vadd.f32 v32, v25;
	v25 =	vmul.f32 v16, v16  }
0x1da: {  	v33 =	vmul.f32 v33, v33;
	v14 =	vmul.f32 v14, v14;
	v0 =	vadd.f32 v18, v0;
	v30 =	vld [tilespmem:s10+$0xFFFFFF70]  }
0x1db: {  	v59 =	vld [tilespmem:s10+$0x20];
	v44 =	vadd.f32 v55, v21;
	v18 =	vadd.f32 v25, v23;
	v21 =	vmul.f32 v12, v12  }
0x1dc: {  	v4 =	vmul.f32 v4, v4;
	v0 =	vadd.f32 v14, v0;
	v14 =	vld [tilespmem:s10+$0x60];
	v1 =	vadd.f32 v33, v1  }
0x1dd: {  	v16 =	vld [tilespmem:s20+$0x50];
	v23 =	vmul.f32 v9, v9;
	v21 =	vadd.f32 v21, v18  }
0x1de: {  	v32 =	vld [tilespmem:s10+$0xD0];
	v0 =	vadd.f32 v4, v0;
	(xrf2) =	vadd.scan.msk.f32 $0xffff, v1  }
0x1df: {  	v3 =	vmul.f32 v3, v3;
	v33 =	vld [tilespmem:s23+$0xFFFFFF60];
	(xrf2) =	vadd.scan.msk.f32 $0xffff, v44;
	v46 =	vadd.f32 v23, v21  }
0x1e0: {  	v12 =	vld [tilespmem:s23+$0x60];
	(xrf2) =	vadd.scan.msk.f32 $0xffff, v0  }
0x1e1: {  	v9 =	vld [tilespmem:s23+$0xFFFFFFE0];
	v1 =	vadd.f32 v3, v46  }
0x1e2: {  	v4 =	vmov s15;
	v25 =	vld [tilespmem:s20+$0xFFFFFFC0]  }
0x1e3: {  	vm15 =	veq.s32 v4, v51;
	v51 =	vld [tilespmem:s10+$0x30];
	(xrf2) =	vadd.scan.msk.f32 $0xffff, v1  }
0x1e4: {  	v55 =	vld [tilespmem:s10+$0xA0]  }
0x1e5: {  	v4 =	vld [tilespmem:s23+$0xFFFFFF20]  }
0x1e6: {  	v7 =	vadd.f32 v28, v27;
	v28 =	vld [tilespmem:s23+$0xFFFFFF90]  }
0x1e7: {  	v22 =	vadd.f32 v22, v19;
	v19 =	vadd.f32 v30, v29;
	v18 =	vld [tilespmem:s20+$0xFFFFFFD0]  }
0x1e8: {  	v44 =	vld [tilespmem:s23+$0xFFFFFFC0];
	v47, _, _ =	vpop (xrf2)  }
0x1e9: {  	[tilespmem:$0x1FF00] =	vst v19;
	v19 =	vld [tilespmem:s10+$0x10];
	v3, _, _ =	vpop (xrf2)  }
0x1ea: {  	v8 =	vadd.f32 v32, v8;
	v32 =	vld [tilespmem:s10+$0xFFFFFF90];
	v48, _, _ =	vpop (xrf2)  }
0x1eb: {  	v30 =	vadd.f32 v34, v33;
	v33 =	vld [tilespmem:s10+$0xFFFFFF00];
	v5 =	vbroadcast v48, $0xF  }
0x1ec: {  	v21 =	vld [tilespmem:s20+$0xFFFFFF50];
	v3 =	vbroadcast v3, $0xF  }
0x1ed: {  	v23 =	vld [tilespmem:s20+$0x40];
	v0 =	vbroadcast v47, $0xF;
	v53 =	vsel vm0, v5, v43;
	v54, _, _ =	vpop (xrf2)  }
0x1ee: {  	[tilespmem:$0x1FEB0] =	vst v2;
	v12 =	vadd.f32 v14, v12;
	v14 =	vld [tilespmem:s23+$0xFFFFFF80];
	v2 =	vsel vm13, v3, v53;
	v3 =	vbroadcast v54, $0xF  }
0x1ef: {  	v5 =	vld [tilespmem:s23+$0x90];
	v0 =	vsel vm14, v0, v2  }
0x1f0: {  	v11 =	vsel vm15, v3, v0;
	v3 =	vld [tilespmem:s10+$0x90]  }
0x1f1: {  	v29 =	vadd.f32 v31, v9;
	v9 =	vld [tilespmem:s10+$0xFFFFFF80]  }
0x1f2: {  	v31 =	vadd.f32 v36, v35;
	v35 =	vadd.f32 v39, v42;
	v42 =	vld [tilespmem:s23+$0xFFFFFF10]  }
0x1f3: {  	v46 =	vld [tilespmem:s23+$0xB0]  }
0x1f4: {  	v43 =	vld [tilespmem:s10+$0x40]  }
0x1f5: {  	v3 =	vadd.f32 v3, v5;
	v5 =	vld [tilespmem:$0x1FEA0]  }
0x1f6: {  	v1 =	vld [tilespmem:s10+$0x0];
	v27 =	vadd.f32 v9, v14  }
0x1f7: {  	v14 =	vsub.f32 v30, v13;
	v30 =	vsub.f32 v31, v16;
	v31 =	vld [tilespmem:s20+$0x90]  }
0x1f8: {  	[tilespmem:$0x1FEF0] =	vst v6;
	v6 =	vadd.f32 v26, v24;
	v47 =	vld [tilespmem:s10+$0xB0]  }
0x1f9: {  	v36 =	vadd.f32 v40, v37;
	v37 =	vadd.f32 v43, v15;
	v15 =	vld [tilespmem:s23+$0xFFFFFF00]  }
0x1fa: {  	v6 =	vsub.f32 v6, v5;
	v5 =	vld [tilespmem:$0x1FEB0]  }
0x1fb: {  	v16 =	vsub.f32 v35, v20;
	v20 =	vld [tilespmem:s20+$0xFFFFFF20]  }
0x1fc: {  	v48 =	vld [tilespmem:s23+$0xFFFFFF40]  }
0x1fd: {  	v39 =	vadd.f32 v47, v46;
	v46 =	vadd.f32 v57, v56;
	v57 =	vld [tilespmem:s20+$0xB0]  }
0x1fe: {  	v47 =	vadd.f32 v59, v58;
	v58 =	vld [tilespmem:s20+$0x30]  }
0x1ff: {  	v15 =	vadd.f32 v33, v15;
	v33 =	vsub.f32 v22, v5;
	v5 =	vld [tilespmem:$0x1FEC0]  }
0x200: {  	v59 =	vld [tilespmem:s20+$0xFFFFFFB0]  }
0x201: {  	v56 =	vadd.f32 v63, v62;
	v62 =	vld [tilespmem:s20+$0x20]  }
0x202: {  	v54 =	vld [tilespmem:s23+$0xA0]  }
0x203: {  	v26 =	vadd.f32 v19, v17;
	v53 =	vld [tilespmem:s10+$0xFFFFFFB0]  }
0x204: {  	v17 =	vadd.f32 v32, v28;
	v28 =	vsub.f32 v12, v5;
	v5 =	vld [tilespmem:$0x1FED0]  }
0x205: {  	v0 =	vld [tilespmem:s10+$0xFFFFFF20]  }
0x206: {  	v34 =	vadd.f32 v41, v38;
	v41 =	vadd.f32 v51, v50;
	v2 =	vld [tilespmem:s23+$0x0]  }
0x207: {  	v38 =	vadd.f32 v45, v44;
	v44 =	vadd.f32 v55, v54;
	v55 =	vld [tilespmem:s10+$0xFFFFFF10]  }
0x208: {  	v63 =	vld [tilespmem:s20+$0xFFFFFFA0];
	v40 =	vadd.f32 v49, v48;
	v48 =	vadd.f32 v61, v60  }
0x209: {  	v13 =	vsub.f32 v39, v57;
	v9 =	vsub.f32 v7, v5;
	v5 =	vld [tilespmem:$0x1FEE0]  }
0x20a: {  	v35 =	vsub.f32 v41, v58;
	v0 =	vadd.f32 v0, v4;
	v4 =	vld [tilespmem:s20+$0xFFFFFF40]  }
0x20b: {  	v60 =	vld [tilespmem:s20+$0xA0];
	v43 =	vadd.f32 v53, v52;
	v24 =	vadd.f32 v1, v2  }
0x20c: {  	v61 =	vld [tilespmem:s20+$0xFFFFFF30];
	v31 =	vsub.f32 v3, v31;
	v19 =	vadd.f32 v55, v42  }
0x20d: {  	v39 =	vld [tilespmem:s20+$0xFFFFFF80];
	v22 =	vsub.f32 v37, v23;
	v12 =	vsub.f32 v8, v10  }
0x20e: {  	p1 =	sne.s32 s18, $0xF;
	v8 =	vsub.f32 v34, v18;
	v32 =	vsub.f32 v29, v5;
	v29 =	vld [tilespmem:s20+$0x80]  }
.Ltmp4:
0x20f: {  	v18 =	vsub.f32 v36, v21;
	v21 =	vsub.f32 v40, v4;
	v40 =	vld [tilespmem:s20+$0xFFFFFF90];
	(pc) =	sbr.rel @p1 .LBB2_8-.Ltmp4, $4  }
0x210: {  	v23 =	vsub.f32 v44, v60;
	v10 =	vsub.f32 v38, v25;
	v38 =	vld [tilespmem:s20+$0xFFFFFF00]  }
0x211: {  	v37 =	vsub.f32 v47, v62;
	v34 =	vsub.f32 v0, v20;
	v20 =	vld [tilespmem:s20+$0xF0]  }
0x212: {  	v25 =	vsub.f32 v43, v59;
	v43 =	vmov v11;
	v11 =	vsub.f32 v46, v61;
	v7 =	vld [tilespmem:s20+$0x10]  }
0x213: {  	s16 =	smov.u32 s20;
	s15 =	smov.u32 s18;
	s18 =	sadd.s32 $0x4, s18;
	v36 =	vsub.f32 v48, v63;
	v5 =	vld [tilespmem:s20+$0x0];
	v29 =	vsub.f32 v56, v29  }
0x214: {  	v4 =	vmul.f32 v6, v6  }
0x215: {  	v54 =	vmul.f32 v33, v33;
	v57 =	vmul.f32 v32, v32  }
0x216: {  	v0 =	vld [tilespmem:s16+$0xFFFFFF10];
	v58 =	vmul.f32 v28, v28;
	v59 =	vmul.f32 v37, v37  }
0x217: {  	v3 =	vsub.f32 v27, v39;
	v60 =	vmul.f32 v30, v30;
	v61 =	vmul.f32 v35, v35  }
0x218: {  	v55 =	vsub.f32 v17, v40;
	v63 =	vmul.f32 v22, v22;
	v27 =	vmul.f32 v10, v10  }
0x219: {  	v28 =	vmul.f32 v34, v34;
	v46 =	vld [tilespmem:$0x1FEF0];
	v2 =	vsub.f32 v26, v7;
	v1 =	vsub.f32 v24, v5  }
0x21a: {  	v32 =	vmul.f32 v31, v31;
	v56 =	vsub.f32 v15, v38;
	v62 =	vmul.f32 v36, v36  }
0x21b: {  	v2 =	vmul.f32 v2, v2;
	v0 =	vsub.f32 v19, v0;
	v1 =	vmul.f32 v1, v1  }
0x21c: {  	v3 =	vmul.f32 v3, v3;
	v6 =	vmul.f32 v55, v55  }
0x21d: {  	v7 =	vmul.f32 v56, v56;
	v0 =	vmul.f32 v0, v0;
	v1 =	vadd.f32 v2, v1  }
0x21e: {  	v30 =	vmul.f32 v29, v29;
	v3 =	vadd.f32 v6, v3;
	v6 =	vsub.f32 v46, v20  }
0x21f: {  	v35 =	vmul.f32 v23, v23;
	v0 =	vadd.f32 v0, v7;
	v1 =	vadd.f32 v59, v1  }
0x220: {  	v34 =	vld [tilespmem:s16+$0xFFFFFF70];
	v26 =	vmul.f32 v25, v25;
	v22 =	vadd.f32 v62, v3;
	v3 =	vadd.f32 v32, v30  }
0x221: {  	v33 =	vmul.f32 v11, v11;
	v41 =	vld [tilespmem:$0x1FF00];
	v0 =	vadd.f32 v28, v0;
	v1 =	vadd.f32 v61, v1  }
0x222: {  	v37 =	vmul.f32 v13, v13;
	v2 =	vadd.f32 v26, v22;
	v3 =	vadd.f32 v35, v3  }
0x223: {  	v36 =	vmul.f32 v21, v21;
	v0 =	vadd.f32 v33, v0;
	v1 =	vadd.f32 v63, v1  }
0x224: {  	v8 =	vmul.f32 v8, v8;
	v2 =	vadd.f32 v27, v2;
	v3 =	vadd.f32 v37, v3  }
0x225: {  	v38 =	vmul.f32 v18, v18;
	v0 =	vadd.f32 v36, v0;
	v1 =	vadd.f32 v60, v1  }
0x226: {  	v39 =	vmul.f32 v16, v16;
	v2 =	vadd.f32 v8, v2;
	v8 =	vsub.f32 v41, v34  }
0x227: {  	v40 =	vmul.f32 v14, v14;
	v0 =	vadd.f32 v38, v0;
	v1 =	vadd.f32 v58, v1  }
0x228: {  	v42 =	vmul.f32 v12, v12;
	v3 =	vadd.f32 v39, v3;
	v2 =	vadd.f32 v57, v2  }
0x229: {  	v44 =	vmul.f32 v8, v8;
	v0 =	vadd.f32 v40, v0;
	v1 =	vadd.f32 v54, v1  }
0x22a: {  	v45 =	vmul.f32 v9, v9;
	v3 =	vadd.f32 v42, v3;
	v2 =	vadd.f32 v4, v2  }
0x22b: {  	v0 =	vadd.f32 v44, v0;
	(xrf2) =	vadd.scan.msk.f32 $0xffff, v1  }
0x22c: {  	v48 =	vmul.f32 v6, v6;
	v47 =	vadd.f32 v45, v3;
	(xrf2) =	vadd.scan.msk.f32 $0xffff, v2  }
0x22d: {  	(xrf2) =	vadd.scan.msk.f32 $0xffff, v0  }
0x22e: {  	v49 =	vadd.f32 v48, v47;
	_ =	sdelay $0x1  }
0x22f: {  	(xrf2) =	vadd.scan.msk.f32 $0xffff, v49;
	_ =	sdelay $0x4  }
0x230: {  	v50, _, _ =	vpop (xrf2)  }
0x231: {  	s10 =	sadd.s32 $0xFFFFFFFF, s15;
	v51, _, _ =	vpop (xrf2)  }
0x232: {  	s5 =	sadd.s32 $0xFFFFFFFD, s15;
	v52 =	vmov s15;
	v55 =	vmov s10;
	v53, _, _ =	vpop (xrf2)  }
0x233: {  	s31 =	sadd.s32 $0xFFFFFFFE, s15;
	v56 =	vlaneseq.u32;
	v54 =	vmov s5;
	v3 =	vbroadcast v53, $0xF  }
0x234: {  	v57 =	vmov s31;
	vm0 =	veq.s32 v54, v56;
	v1 =	vbroadcast v51, $0xF  }
0x235: {  	vm13 =	veq.s32 v57, v56;
	v0 =	vbroadcast v50, $0xF;
	v58, _, _ =	vpop (xrf2);
	v3 =	vsel vm0, v3, v43  }
0x236: {  	vm14 =	veq.s32 v55, v56;
	v59 =	vbroadcast v58, $0xF;
	v1 =	vsel vm13, v1, v3  }
0x237: {  	vm15 =	veq.s32 v52, v56;
	v0 =	vsel vm14, v0, v1  }
0x238: {  	v0 =	vsel vm15, v59, v0  }
0x239: {  	v0 =	vmax.f32 v0, $1.000000000e-30  }
0x23a: {  	v60 =	vshrl.u32 v0, $0x1;
	v61 =	vmul.f32 $5.000000000e-01, v0  }
0x23b: {  	v1 =	vsub.s32 $0x5F3759DF, v60  }
0x23c: {  	v62 =	vmul.f32 v1, v61;
	_ =	sdelay $0x1  }
0x23d: {  	v3 =	vmul.f32 v1, v62;
	_ =	sdelay $0x1  }
0x23e: {  	v3 =	vsub.f32 $1.500000000e+00, v3;
	_ =	sdelay $0x1  }
0x23f: {  	v1 =	vmul.f32 v1, v3;
	_ =	sdelay $0x1  }
0x240: {  	v3 =	vmul.f32 v1, v61;
	_ =	sdelay $0x1  }
0x241: {  	v3 =	vmul.f32 v3, v1;
	_ =	sdelay $0x1  }
0x242: {  	v3 =	vsub.f32 $1.500000000e+00, v3;
	_ =	sdelay $0x1  }
0x243: {  	v1 =	vmul.f32 v3, v1;
	_ =	sdelay $0x1  }
0x244: {  	v2 =	vmul.f32 v1, v61;
	_ =	sdelay $0x1  }
0x245: {  	v2 =	vmul.f32 v2, v1;
	_ =	sdelay $0x1  }
0x246: {  	v63 =	vld [tilespmem:$0x1FF30];
	v2 =	vsub.f32 $1.500000000e+00, v2;
	_ =	sdelay $0x1  }
0x247: {  	s29 =	sadd.s32 $0x1, s29;
	v1 =	vmul.f32 v2, v1  }
0x248: {  	p1 =	sne.s32 s29, $0x4  }
.Ltmp5:
0x249: {  	v0 =	vmul.f32 v1, v0;
	(pc) =	sbr.rel @p1 .LBB2_7-.Ltmp5, $3  }
0x24a: {  	_ = 	snop  }
0x24b: {  	v0 =	vsub.f32 $0.0e+00, v0;
	_ =	sdelay $0x1  }
0x24c: {  	s30 =	sadd.s32 $0x800, s30;
	s1 =	sadd.s32 $0x800, s1;
	s3 =	sadd.s32 $0x800, s3;
	[tilespmem:v63+s14+$0x0 ss:$0x1] =	vst.idx.msk $0xffff, v0  }
.Ltmp6:
0x24d: {  	(pc) =	sbr.rel @p0 .LBB2_12-.Ltmp6, $1  }
0x24e: {  	_ =	sdelay $0x3  }
0x24f: {  	s1 =	sadd.s32 $0xC0, s28  }
0x250: {  	[tilespmem:s17], [sflag:$0x2] =	stream.indirect.gather [hbm4b:s0+s13], $0x80, s1, s13, $0xb8;
	[tilespmem:$0xC800] =	vst v63  }
.Ltmp7:
0x251: {  	_ = 	snop;
	(pc) =	sbr.rel .LBB2_2-.Ltmp7, $4  }
0x252: {  	s30 =	sadd.s32 $0x2C0, s28  }
0x253: {  	[tilespmem:s19], [sflag:$0x2] =	stream.indirect.gather [hbm4b:s2+s13], $0x80, s30, s13, $0xb8;
	[tilespmem:$0xC800] =	vst v63  }
0x254: {  	s31 =	sadd.s32 $0x4C0, s28;
	s26 =	sadd.s32 $0x1, s26  }
0x255: {  	[tilespmem:s21], [sflag:$0x2] =	stream.indirect.gather [hbm4b:s0+s13], $0x80, s31, s13, $0xb8;
	[tilespmem:$0xC800] =	vst v63  }
.LBB2_13:
0x256: {  	_ =	sfence.sel $0x180000  }
0x257: {  	[bflag:$0x0] =	sbarrier.arrive $0xFFFF  }
0x258: {  	_ =	strace $0x90000047  }
0x259: {  	s0 =	stileid.u32;
	[bflag:$0x2] =	sbarrier.arrive $0xFFFF  }
0x25a: {  	p0 =	sne.s32 s0, $0x0;
	s0 =	rddreg [dreg:$0x6]  }
0x25b: {  	s0 =	sadd.s32 @!p0 $0x100000, s0  }
0x25c: {  	[sflag:s0] =	ssyncadd.tile.s32 @!p0 $0x1;
	_ =	shalt  }
.Lfunc_end2:
_tile_overlayer_lowered:
.L_overlay_start_2:
0x25d: {  	(tag) =	ssettag $0x2  }
0x25e: {  	s0 =	rddreg [dreg:$0x0];
	s2 =	stileid.u32  }
0x25f: {  	s1 =	rddreg [dreg:$0x1];
	p0 =	sne.s32 s2, $0x0  }
0x260: {  	s3 =	rddreg [dreg:$0x2];
	[bflag:$0x3] =	sbarrier.arrive $0xFFFF;
	s2 =	simm.s32 @!p0 $0x1C03  }
0x261: {  	[timem:s3], [sflag:s2] =	dma.local @!p0 [hbm:s0], s1  }
0x262: {  	s0 =	simm.s32 @!p0 $0x3  }
0x263: {  	_ =	swait.ge @!p0 [sflag:s0], s1  }
0x264: {  	s1 =	ssub.s32 @!p0 $0x0, s1;
	[sflag:s0] =	ssyncset.done @!p0 $0x0  }
0x265: {  	[sflag:s0] =	ssyncadd.s32 @!p0 s1  }
0x266: {  	[bflag:$0x3] =	sbarrier.arrive $0xFFFF  }
0x267: {  	_ =	shalt  }

</sc_bundles>
